<compile_context>
chip_gen: v7x
topology: tpu7x:2x2x1
jax: 0.10.2.dev20260603
libtpu: 0.0.44.dev20260713+nightly
codegen_flags: <defaults>
</compile_context>

<pallas_src>
import jax
import jax.numpy as jnp
from jax import lax
from jax.experimental import pallas as pl
from jax.experimental.pallas import tpu as pltpu
from jax.experimental.pallas import tpu_sc as plsc

_N = 8192
_D = 2048
_NC = 2
_NS = 16
_NW = _NC * _NS
_ROWS_PER_W = _N // _NW
_R = 4
_CHUNKS = _ROWS_PER_W // _R
_NBUF = 4
_MAIN = _CHUNKS // _NBUF
_TAIL = _CHUNKS - _MAIN * _NBUF
_L = 16
_JG = _D // _L


def _permute_chunk(idx_v, src, dst):

    @plsc.parallel_loop(0, _JG, 1, unroll=8)
    def _(jg):
        col = idx_v[pl.ds(jg * _L, _L)]
        for r in range(_R):
            row_i = jnp.full((_L,), r, dtype=jnp.int32)
            dst[r, pl.ds(jg * _L, _L)] = plsc.load_gather(src, [row_i, col])


def _sc_body(x_hbm, idx_hbm, out_hbm, idx_v,
             in0, in1, in2, in3, out0, out1, out2, out3,
             si0, si1, si2, si3, so0, so1, so2, so3):
    wid = lax.axis_index("s") * _NC + lax.axis_index("c")
    base = wid * _ROWS_PER_W
    pltpu.sync_copy(idx_hbm, idx_v)

    ins = (in0, in1, in2, in3)
    outs = (out0, out1, out2, out3)
    sis = (si0, si1, si2, si3)
    sos = (so0, so1, so2, so3)

    for k in range(_NBUF):
        pltpu.async_copy(x_hbm.at[pl.ds(base + k * _R, _R)], ins[k], sis[k])

    def ring_body(i, carry):
        for k in range(_NBUF):
            row = base + (i * _NBUF + k) * _R
            pltpu.make_async_copy(x_hbm.at[pl.ds(row, _R)], ins[k],
                                  sis[k]).wait()

            @pl.when(i > 0)
            def _(k=k, row=row):
                pltpu.make_async_copy(outs[k],
                                      out_hbm.at[pl.ds(row - _NBUF * _R, _R)],
                                      sos[k]).wait()

            _permute_chunk(idx_v, ins[k], outs[k])
            pltpu.async_copy(outs[k], out_hbm.at[pl.ds(row, _R)], sos[k])

            if k < _TAIL:
                pltpu.async_copy(x_hbm.at[pl.ds(row + _NBUF * _R, _R)],
                                 ins[k], sis[k])
            else:
                @pl.when(i < _MAIN - 1)
                def _(k=k, row=row):
                    pltpu.async_copy(x_hbm.at[pl.ds(row + _NBUF * _R, _R)],
                                     ins[k], sis[k])

        return carry

    lax.fori_loop(0, _MAIN, ring_body, 0)

    for k in range(_TAIL):
        row = base + (_MAIN * _NBUF + k) * _R
        pltpu.make_async_copy(x_hbm.at[pl.ds(row, _R)], ins[k], sis[k]).wait()
        pltpu.make_async_copy(outs[k], out_hbm.at[pl.ds(row - _NBUF * _R, _R)],
                              sos[k]).wait()
        _permute_chunk(idx_v, ins[k], outs[k])
        pltpu.async_copy(outs[k], out_hbm.at[pl.ds(row, _R)], sos[k])

    for k in range(_NBUF):
        c = _MAIN * _NBUF + k if k < _TAIL else (_MAIN - 1) * _NBUF + k
        pltpu.make_async_copy(outs[k], out_hbm.at[pl.ds(base + c * _R, _R)],
                              sos[k]).wait()


@jax.jit
def kernel(inputs, idxs):
    mesh = plsc.VectorSubcoreMesh(
        core_axis_name="c", subcore_axis_name="s",
        num_cores=_NC, num_subcores=_NS,
    )
    f = pl.kernel(
        _sc_body,
        out_type=jax.ShapeDtypeStruct((_N, _D), jnp.float32),
        mesh=mesh,
        scratch_types=[
            pltpu.VMEM((_D,), jnp.int32),
            pltpu.VMEM((_R, _D), jnp.float32),
            pltpu.VMEM((_R, _D), jnp.float32),
            pltpu.VMEM((_R, _D), jnp.float32),
            pltpu.VMEM((_R, _D), jnp.float32),
            pltpu.VMEM((_R, _D), jnp.float32),
            pltpu.VMEM((_R, _D), jnp.float32),
            pltpu.VMEM((_R, _D), jnp.float32),
            pltpu.VMEM((_R, _D), jnp.float32),
            pltpu.SemaphoreType.DMA,
            pltpu.SemaphoreType.DMA,
            pltpu.SemaphoreType.DMA,
            pltpu.SemaphoreType.DMA,
            pltpu.SemaphoreType.DMA,
            pltpu.SemaphoreType.DMA,
            pltpu.SemaphoreType.DMA,
            pltpu.SemaphoreType.DMA,
        ],
        compiler_params=pltpu.CompilerParams(needs_layout_passes=False),
    )
    return f(inputs, idxs)

# --- scband reference (transcript-rebuilt; emitter-appended) ---
"""Pipeline reference for scband-shuffle-62543313764386 (READ-ONLY COPY).

The authoritative reference and input builder live on the scoring server;
editing this copy changes nothing except your own understanding.
"""

import jax, jax.numpy as jnp
import numpy as np

D = 2048
N = 8192

def setup_inputs(seed: int = 0) -> dict:
    key = jax.random.key(seed)
    x = jax.random.normal(key, (N, D), dtype=jnp.float32)
    # non-trainable 'idxs' weight: reverse permutation of the feature axis
    idxs = jnp.arange(D, dtype=jnp.int32)[::-1]
    return {"inputs": x, "idxs": idxs}

def reference(inputs, idxs):
    # Faithful to Shuffle.call: transpose -> gather along axis 0 -> transpose
    t = jnp.transpose(inputs)
    g = jnp.take(t, idxs, axis=0)
    out = jnp.transpose(g)
    return out

if __name__ == "__main__":
    import jax
    _d = setup_inputs()
    print(jax.jit(kernel)(*tuple(_d.values())))

</pallas_src>

<mosaic_0001>
#map = affine_map<(d0, d1) -> (0, 0)>
#map1 = affine_map<(d0, d1) -> (0)>
module attributes {stable_mosaic.version = 14 : i64} {
  func.func @_sc_body(%arg0: i32, %arg1: i32, %arg2: memref<8192x2048xf32, #tpu.memory_space<hbm>>, %arg3: memref<2048xi32, #tpu.memory_space<hbm>>, %arg4: memref<8192x2048xf32, #tpu.memory_space<hbm>>, %arg5: memref<2048xi32, #tpu.memory_space<vmem>>, %arg6: memref<4x2048xf32, #tpu.memory_space<vmem>>, %arg7: memref<4x2048xf32, #tpu.memory_space<vmem>>, %arg8: memref<4x2048xf32, #tpu.memory_space<vmem>>, %arg9: memref<4x2048xf32, #tpu.memory_space<vmem>>, %arg10: memref<4x2048xf32, #tpu.memory_space<vmem>>, %arg11: memref<4x2048xf32, #tpu.memory_space<vmem>>, %arg12: memref<4x2048xf32, #tpu.memory_space<vmem>>, %arg13: memref<4x2048xf32, #tpu.memory_space<vmem>>, %arg14: memref<!tpu.dma_semaphore, #tpu.memory_space<semaphore_mem>>, %arg15: memref<!tpu.dma_semaphore, #tpu.memory_space<semaphore_mem>>, %arg16: memref<!tpu.dma_semaphore, #tpu.memory_space<semaphore_mem>>, %arg17: memref<!tpu.dma_semaphore, #tpu.memory_space<semaphore_mem>>, %arg18: memref<!tpu.dma_semaphore, #tpu.memory_space<semaphore_mem>>, %arg19: memref<!tpu.dma_semaphore, #tpu.memory_space<semaphore_mem>>, %arg20: memref<!tpu.dma_semaphore, #tpu.memory_space<semaphore_mem>>, %arg21: memref<!tpu.dma_semaphore, #tpu.memory_space<semaphore_mem>>) attributes {dimension_semantics = [#tpu.dimension_semantics<core_parallel>, #tpu.dimension_semantics<subcore_parallel>], iteration_bounds = array<i64: 2, 16>, scalar_prefetch = 0 : i64, scratch_operands = 17 : i64, tpu.core_type = #tpu.core_type<sc_vector_subcore>, window_params = [{transform_indices = #map}, {transform_indices = #map1}, {transform_indices = #map}]} {
    %mul3A = arith.constant 2 : i32
    %mul3A_0 = arith.muli %arg1, %mul3A : i32
    %add3A = arith.addi %mul3A_0, %arg0 : i32
    %mul3A_1 = arith.constant 256 : i32
    %mul3A_2 = arith.muli %add3A, %mul3A_1 : i32
    "tpu.region"() ({
      %run_scoped3A = tpu.sem_alloc : memref<!tpu.dma_semaphore, #tpu.memory_space<semaphore_mem>>
      tpu.enqueue_dma source(%arg3 : memref<2048xi32, #tpu.memory_space<hbm>>) target(%arg5 : memref<2048xi32, #tpu.memory_space<vmem>>) target_semaphore(%run_scoped3A : memref<!tpu.dma_semaphore, #tpu.memory_space<semaphore_mem>>)
      tpu.wait_dma2 semaphore(%run_scoped3A : memref<!tpu.dma_semaphore, #tpu.memory_space<semaphore_mem>>) src(%arg3 : memref<2048xi32, #tpu.memory_space<hbm>>) dst(%arg5 : memref<2048xi32, #tpu.memory_space<vmem>>)
      tpu.yield
    }) : () -> ()
    %add3A_3 = arith.constant 0 : i32
    %add3A_4 = arith.addi %mul3A_2, %add3A_3 : i32
    %dma_start3A = arith.constant 0 : i32
    %dma_start3A_5 = tpu.memref_slice %arg2[%add3A_4, %dma_start3A] : memref<8192x2048xf32, #tpu.memory_space<hbm>> -> memref<4x2048xf32, #tpu.memory_space<hbm>>
    %dma_start3A_6 = arith.constant 0 : i32
    %dma_start3A_7 = tpu.memref_slice %arg2[%add3A_4, %dma_start3A_6] : memref<8192x2048xf32, #tpu.memory_space<hbm>> -> memref<4x2048xf32, #tpu.memory_space<hbm>>
    tpu.enqueue_dma source(%dma_start3A_7 : memref<4x2048xf32, #tpu.memory_space<hbm>>) target(%arg6 : memref<4x2048xf32, #tpu.memory_space<vmem>>) target_semaphore(%arg14 : memref<!tpu.dma_semaphore, #tpu.memory_space<semaphore_mem>>)
    %add3A_8 = arith.constant 4 : i32
    %add3A_9 = arith.addi %mul3A_2, %add3A_8 : i32
    %dma_start3A_10 = arith.constant 0 : i32
    %dma_start3A_11 = tpu.memref_slice %arg2[%add3A_9, %dma_start3A_10] : memref<8192x2048xf32, #tpu.memory_space<hbm>> -> memref<4x2048xf32, #tpu.memory_space<hbm>>
    %dma_start3A_12 = arith.constant 0 : i32
    %dma_start3A_13 = tpu.memref_slice %arg2[%add3A_9, %dma_start3A_12] : memref<8192x2048xf32, #tpu.memory_space<hbm>> -> memref<4x2048xf32, #tpu.memory_space<hbm>>
    tpu.enqueue_dma source(%dma_start3A_13 : memref<4x2048xf32, #tpu.memory_space<hbm>>) target(%arg7 : memref<4x2048xf32, #tpu.memory_space<vmem>>) target_semaphore(%arg15 : memref<!tpu.dma_semaphore, #tpu.memory_space<semaphore_mem>>)
    %add3A_14 = arith.constant 8 : i32
    %add3A_15 = arith.addi %mul3A_2, %add3A_14 : i32
    %dma_start3A_16 = arith.constant 0 : i32
    %dma_start3A_17 = tpu.memref_slice %arg2[%add3A_15, %dma_start3A_16] : memref<8192x2048xf32, #tpu.memory_space<hbm>> -> memref<4x2048xf32, #tpu.memory_space<hbm>>
    %dma_start3A_18 = arith.constant 0 : i32
    %dma_start3A_19 = tpu.memref_slice %arg2[%add3A_15, %dma_start3A_18] : memref<8192x2048xf32, #tpu.memory_space<hbm>> -> memref<4x2048xf32, #tpu.memory_space<hbm>>
    tpu.enqueue_dma source(%dma_start3A_19 : memref<4x2048xf32, #tpu.memory_space<hbm>>) target(%arg8 : memref<4x2048xf32, #tpu.memory_space<vmem>>) target_semaphore(%arg16 : memref<!tpu.dma_semaphore, #tpu.memory_space<semaphore_mem>>)
    %add3A_20 = arith.constant 12 : i32
    %add3A_21 = arith.addi %mul3A_2, %add3A_20 : i32
    %dma_start3A_22 = arith.constant 0 : i32
    %dma_start3A_23 = tpu.memref_slice %arg2[%add3A_21, %dma_start3A_22] : memref<8192x2048xf32, #tpu.memory_space<hbm>> -> memref<4x2048xf32, #tpu.memory_space<hbm>>
    %dma_start3A_24 = arith.constant 0 : i32
    %dma_start3A_25 = tpu.memref_slice %arg2[%add3A_21, %dma_start3A_24] : memref<8192x2048xf32, #tpu.memory_space<hbm>> -> memref<4x2048xf32, #tpu.memory_space<hbm>>
    tpu.enqueue_dma source(%dma_start3A_25 : memref<4x2048xf32, #tpu.memory_space<hbm>>) target(%arg9 : memref<4x2048xf32, #tpu.memory_space<vmem>>) target_semaphore(%arg17 : memref<!tpu.dma_semaphore, #tpu.memory_space<semaphore_mem>>)
    %scan3A = arith.constant 0 : i32
    %scan3A_26 = arith.constant 0 : i32
    %scan3A_27 = arith.constant 16 : i32
    %scan3A_28 = arith.addi %scan3A_26, %scan3A_27 : i32
    %scan3A_29 = arith.constant 1 : i32
    scf.for %scan3A_54 = %scan3A_26 to %scan3A_28 step %scan3A_29  : i32 {
      %mul3A_55 = arith.constant 4 : i32
      %mul3A_56 = arith.muli %scan3A_54, %mul3A_55 : i32
      %add3A_57 = arith.constant 0 : i32
      %add3A_58 = arith.addi %mul3A_56, %add3A_57 : i32
      %mul3A_59 = arith.constant 4 : i32
      %mul3A_60 = arith.muli %add3A_58, %mul3A_59 : i32
      %add3A_61 = arith.addi %mul3A_2, %mul3A_60 : i32
      %dma_wait3A_62 = arith.constant 0 : i32
      %dma_wait3A_63 = tpu.memref_slice %arg2[%add3A_61, %dma_wait3A_62] : memref<8192x2048xf32, #tpu.memory_space<hbm>> -> memref<4x2048xf32, #tpu.memory_space<hbm>>
      %dma_wait3A_64 = arith.constant 0 : i32
      %dma_wait3A_65 = tpu.memref_slice %arg2[%add3A_61, %dma_wait3A_64] : memref<8192x2048xf32, #tpu.memory_space<hbm>> -> memref<4x2048xf32, #tpu.memory_space<hbm>>
      tpu.wait_dma2 semaphore(%arg14 : memref<!tpu.dma_semaphore, #tpu.memory_space<semaphore_mem>>) src(%dma_wait3A_65 : memref<4x2048xf32, #tpu.memory_space<hbm>>) dst(%arg6 : memref<4x2048xf32, #tpu.memory_space<vmem>>)
      %gt3A = arith.constant 0 : i32
      %gt3A_66 = arith.cmpi sgt, %scan3A_54, %gt3A : i32
      %convert_element_type3A = arith.extui %gt3A_66 : i1 to i32
      %cond3A = arith.constant 0 : i32
      %cond3A_67 = arith.cmpi ne, %convert_element_type3A, %cond3A : i32
      scf.if %cond3A_67 {
        %sub3A = arith.constant 16 : i32
        %sub3A_162 = arith.subi %add3A_61, %sub3A : i32
        %dma_wait3A_163 = arith.constant 0 : i32
        %dma_wait3A_164 = tpu.memref_slice %arg4[%sub3A_162, %dma_wait3A_163] : memref<8192x2048xf32, #tpu.memory_space<hbm>> -> memref<4x2048xf32, #tpu.memory_space<hbm>>
        %dma_wait3A_165 = arith.constant 0 : i32
        %dma_wait3A_166 = tpu.memref_slice %arg4[%sub3A_162, %dma_wait3A_165] : memref<8192x2048xf32, #tpu.memory_space<hbm>> -> memref<4x2048xf32, #tpu.memory_space<hbm>>
        tpu.wait_dma2 semaphore(%arg18 : memref<!tpu.dma_semaphore, #tpu.memory_space<semaphore_mem>>) src(%arg10 : memref<4x2048xf32, #tpu.memory_space<vmem>>) dst(%dma_wait3A_166 : memref<4x2048xf32, #tpu.memory_space<hbm>>)
      } else {
      }
      %parallel_loop3A = arith.constant 0 : i32
      %parallel_loop3A_68 = arith.constant 128 : i32
      %parallel_loop3A_69 = arith.constant 1 : i32
      scf.for %parallel_loop3A_162 = %parallel_loop3A to %parallel_loop3A_68 step %parallel_loop3A_69  : i32 {
        %parallel_loop3A_163 = arith.constant 16 : i32
        %parallel_loop3A_164 = arith.muli %parallel_loop3A_162, %parallel_loop3A_163 : i32
        %parallel_loop3A_165 = arith.index_cast %parallel_loop3A_164 : i32 to index
        %parallel_loop3A_166 = tpu.vector_load %arg5[%parallel_loop3A_165] {strides = array<i32>} : memref<2048xi32, #tpu.memory_space<vmem>>, vector<16xi32>,
        %parallel_loop3A_167 = arith.constant 0 : i32
        %parallel_loop3A_168 = vector.broadcast %parallel_loop3A_167 : i32 to vector<16xi32>
        %parallel_loop3A_169 = tpu.vector_load_idx %arg6[%parallel_loop3A_168, %parallel_loop3A_166] : memref<4x2048xf32, #tpu.memory_space<vmem>>[vector<16xi32>, vector<16xi32>], vector<16xf32>,
        %parallel_loop3A_170 = arith.constant 16 : i32
        %parallel_loop3A_171 = arith.muli %parallel_loop3A_162, %parallel_loop3A_170 : i32
        %parallel_loop3A_172 = arith.constant 0 : i32
        %parallel_loop3A_173 = arith.index_cast %parallel_loop3A_172 : i32 to index
        %parallel_loop3A_174 = arith.index_cast %parallel_loop3A_171 : i32 to index
        %parallel_loop3A_175 = tpu.vector_load %arg10[%parallel_loop3A_173, %parallel_loop3A_174] {strides = array<i32>} : memref<4x2048xf32, #tpu.memory_space<vmem>>, vector<16xf32>,
        tpu.vector_store %arg10[%parallel_loop3A_173, %parallel_loop3A_174], %parallel_loop3A_169 {strides = array<i32>} : memref<4x2048xf32, #tpu.memory_space<vmem>>, vector<16xf32>,
        %parallel_loop3A_176 = arith.constant 1 : i32
        %parallel_loop3A_177 = vector.broadcast %parallel_loop3A_176 : i32 to vector<16xi32>
        %parallel_loop3A_178 = tpu.vector_load_idx %arg6[%parallel_loop3A_177, %parallel_loop3A_166] : memref<4x2048xf32, #tpu.memory_space<vmem>>[vector<16xi32>, vector<16xi32>], vector<16xf32>,
        %parallel_loop3A_179 = arith.constant 16 : i32
        %parallel_loop3A_180 = arith.muli %parallel_loop3A_162, %parallel_loop3A_179 : i32
        %parallel_loop3A_181 = arith.constant 1 : i32
        %parallel_loop3A_182 = arith.index_cast %parallel_loop3A_181 : i32 to index
        %parallel_loop3A_183 = arith.index_cast %parallel_loop3A_180 : i32 to index
        %parallel_loop3A_184 = tpu.vector_load %arg10[%parallel_loop3A_182, %parallel_loop3A_183] {strides = array<i32>} : memref<4x2048xf32, #tpu.memory_space<vmem>>, vector<16xf32>,
        tpu.vector_store %arg10[%parallel_loop3A_182, %parallel_loop3A_183], %parallel_loop3A_178 {strides = array<i32>} : memref<4x2048xf32, #tpu.memory_space<vmem>>, vector<16xf32>,
        %parallel_loop3A_185 = arith.constant 2 : i32
        %parallel_loop3A_186 = vector.broadcast %parallel_loop3A_185 : i32 to vector<16xi32>
        %parallel_loop3A_187 = tpu.vector_load_idx %arg6[%parallel_loop3A_186, %parallel_loop3A_166] : memref<4x2048xf32, #tpu.memory_space<vmem>>[vector<16xi32>, vector<16xi32>], vector<16xf32>,
        %parallel_loop3A_188 = arith.constant 16 : i32
        %parallel_loop3A_189 = arith.muli %parallel_loop3A_162, %parallel_loop3A_188 : i32
        %parallel_loop3A_190 = arith.constant 2 : i32
        %parallel_loop3A_191 = arith.index_cast %parallel_loop3A_190 : i32 to index
        %parallel_loop3A_192 = arith.index_cast %parallel_loop3A_189 : i32 to index
        %parallel_loop3A_193 = tpu.vector_load %arg10[%parallel_loop3A_191, %parallel_loop3A_192] {strides = array<i32>} : memref<4x2048xf32, #tpu.memory_space<vmem>>, vector<16xf32>,
        tpu.vector_store %arg10[%parallel_loop3A_191, %parallel_loop3A_192], %parallel_loop3A_187 {strides = array<i32>} : memref<4x2048xf32, #tpu.memory_space<vmem>>, vector<16xf32>,
        %parallel_loop3A_194 = arith.constant 3 : i32
        %parallel_loop3A_195 = vector.broadcast %parallel_loop3A_194 : i32 to vector<16xi32>
        %parallel_loop3A_196 = tpu.vector_load_idx %arg6[%parallel_loop3A_195, %parallel_loop3A_166] : memref<4x2048xf32, #tpu.memory_space<vmem>>[vector<16xi32>, vector<16xi32>], vector<16xf32>,
        %parallel_loop3A_197 = arith.constant 16 : i32
        %parallel_loop3A_198 = arith.muli %parallel_loop3A_162, %parallel_loop3A_197 : i32
        %parallel_loop3A_199 = arith.constant 3 : i32
        %parallel_loop3A_200 = arith.index_cast %parallel_loop3A_199 : i32 to index
        %parallel_loop3A_201 = arith.index_cast %parallel_loop3A_198 : i32 to index
        %parallel_loop3A_202 = tpu.vector_load %arg10[%parallel_loop3A_200, %parallel_loop3A_201] {strides = array<i32>} : memref<4x2048xf32, #tpu.memory_space<vmem>>, vector<16xf32>,
        tpu.vector_store %arg10[%parallel_loop3A_200, %parallel_loop3A_201], %parallel_loop3A_196 {strides = array<i32>} : memref<4x2048xf32, #tpu.memory_space<vmem>>, vector<16xf32>,
      } {sc.loop_unroll_factor = 8 : i64, sc.parallel_access}
      %dma_start3A_70 = arith.constant 0 : i32
      %dma_start3A_71 = tpu.memref_slice %arg4[%add3A_61, %dma_start3A_70] : memref<8192x2048xf32, #tpu.memory_space<hbm>> -> memref<4x2048xf32, #tpu.memory_space<hbm>>
      %dma_start3A_72 = arith.constant 0 : i32
      %dma_start3A_73 = tpu.memref_slice %arg4[%add3A_61, %dma_start3A_72] : memref<8192x2048xf32, #tpu.memory_space<hbm>> -> memref<4x2048xf32, #tpu.memory_space<hbm>>
      tpu.enqueue_dma source(%arg10 : memref<4x2048xf32, #tpu.memory_space<vmem>>) target(%dma_start3A_73 : memref<4x2048xf32, #tpu.memory_space<hbm>>) target_semaphore(%arg18 : memref<!tpu.dma_semaphore, #tpu.memory_space<semaphore_mem>>)
      %lt3A = arith.constant 15 : i32
      %lt3A_74 = arith.cmpi slt, %scan3A_54, %lt3A : i32
      %convert_element_type3A_75 = arith.extui %lt3A_74 : i1 to i32
      %cond3A_76 = arith.constant 0 : i32
      %cond3A_77 = arith.cmpi ne, %convert_element_type3A_75, %cond3A_76 : i32
      scf.if %cond3A_77 {
        %add3A_162 = arith.constant 16 : i32
        %add3A_163 = arith.addi %add3A_61, %add3A_162 : i32
        %dma_start3A_164 = arith.constant 0 : i32
        %dma_start3A_165 = tpu.memref_slice %arg2[%add3A_163, %dma_start3A_164] : memref<8192x2048xf32, #tpu.memory_space<hbm>> -> memref<4x2048xf32, #tpu.memory_space<hbm>>
        %dma_start3A_166 = arith.constant 0 : i32
        %dma_start3A_167 = tpu.memref_slice %arg2[%add3A_163, %dma_start3A_166] : memref<8192x2048xf32, #tpu.memory_space<hbm>> -> memref<4x2048xf32, #tpu.memory_space<hbm>>
        tpu.enqueue_dma source(%dma_start3A_167 : memref<4x2048xf32, #tpu.memory_space<hbm>>) target(%arg6 : memref<4x2048xf32, #tpu.memory_space<vmem>>) target_semaphore(%arg14 : memref<!tpu.dma_semaphore, #tpu.memory_space<semaphore_mem>>)
      } else {
      }
      %mul3A_78 = arith.constant 4 : i32
      %mul3A_79 = arith.muli %scan3A_54, %mul3A_78 : i32
      %add3A_80 = arith.constant 1 : i32
      %add3A_81 = arith.addi %mul3A_79, %add3A_80 : i32
      %mul3A_82 = arith.constant 4 : i32
      %mul3A_83 = arith.muli %add3A_81, %mul3A_82 : i32
      %add3A_84 = arith.addi %mul3A_2, %mul3A_83 : i32
      %dma_wait3A_85 = arith.constant 0 : i32
      %dma_wait3A_86 = tpu.memref_slice %arg2[%add3A_84, %dma_wait3A_85] : memref<8192x2048xf32, #tpu.memory_space<hbm>> -> memref<4x2048xf32, #tpu.memory_space<hbm>>
      %dma_wait3A_87 = arith.constant 0 : i32
      %dma_wait3A_88 = tpu.memref_slice %arg2[%add3A_84, %dma_wait3A_87] : memref<8192x2048xf32, #tpu.memory_space<hbm>> -> memref<4x2048xf32, #tpu.memory_space<hbm>>
      tpu.wait_dma2 semaphore(%arg15 : memref<!tpu.dma_semaphore, #tpu.memory_space<semaphore_mem>>) src(%dma_wait3A_88 : memref<4x2048xf32, #tpu.memory_space<hbm>>) dst(%arg7 : memref<4x2048xf32, #tpu.memory_space<vmem>>)
      %gt3A_89 = arith.constant 0 : i32
      %gt3A_90 = arith.cmpi sgt, %scan3A_54, %gt3A_89 : i32
      %convert_element_type3A_91 = arith.extui %gt3A_90 : i1 to i32
      %cond3A_92 = arith.constant 0 : i32
      %cond3A_93 = arith.cmpi ne, %convert_element_type3A_91, %cond3A_92 : i32
      scf.if %cond3A_93 {
        %sub3A = arith.constant 16 : i32
        %sub3A_162 = arith.subi %add3A_84, %sub3A : i32
        %dma_wait3A_163 = arith.constant 0 : i32
        %dma_wait3A_164 = tpu.memref_slice %arg4[%sub3A_162, %dma_wait3A_163] : memref<8192x2048xf32, #tpu.memory_space<hbm>> -> memref<4x2048xf32, #tpu.memory_space<hbm>>
        %dma_wait3A_165 = arith.constant 0 : i32
        %dma_wait3A_166 = tpu.memref_slice %arg4[%sub3A_162, %dma_wait3A_165] : memref<8192x2048xf32, #tpu.memory_space<hbm>> -> memref<4x2048xf32, #tpu.memory_space<hbm>>
        tpu.wait_dma2 semaphore(%arg19 : memref<!tpu.dma_semaphore, #tpu.memory_space<semaphore_mem>>) src(%arg11 : memref<4x2048xf32, #tpu.memory_space<vmem>>) dst(%dma_wait3A_166 : memref<4x2048xf32, #tpu.memory_space<hbm>>)
      } else {
      }
      %parallel_loop3A_94 = arith.constant 0 : i32
      %parallel_loop3A_95 = arith.constant 128 : i32
      %parallel_loop3A_96 = arith.constant 1 : i32
      scf.for %parallel_loop3A_162 = %parallel_loop3A_94 to %parallel_loop3A_95 step %parallel_loop3A_96  : i32 {
        %parallel_loop3A_163 = arith.constant 16 : i32
        %parallel_loop3A_164 = arith.muli %parallel_loop3A_162, %parallel_loop3A_163 : i32
        %parallel_loop3A_165 = arith.index_cast %parallel_loop3A_164 : i32 to index
        %parallel_loop3A_166 = tpu.vector_load %arg5[%parallel_loop3A_165] {strides = array<i32>} : memref<2048xi32, #tpu.memory_space<vmem>>, vector<16xi32>,
        %parallel_loop3A_167 = arith.constant 0 : i32
        %parallel_loop3A_168 = vector.broadcast %parallel_loop3A_167 : i32 to vector<16xi32>
        %parallel_loop3A_169 = tpu.vector_load_idx %arg7[%parallel_loop3A_168, %parallel_loop3A_166] : memref<4x2048xf32, #tpu.memory_space<vmem>>[vector<16xi32>, vector<16xi32>], vector<16xf32>,
        %parallel_loop3A_170 = arith.constant 16 : i32
        %parallel_loop3A_171 = arith.muli %parallel_loop3A_162, %parallel_loop3A_170 : i32
        %parallel_loop3A_172 = arith.constant 0 : i32
        %parallel_loop3A_173 = arith.index_cast %parallel_loop3A_172 : i32 to index
        %parallel_loop3A_174 = arith.index_cast %parallel_loop3A_171 : i32 to index
        %parallel_loop3A_175 = tpu.vector_load %arg11[%parallel_loop3A_173, %parallel_loop3A_174] {strides = array<i32>} : memref<4x2048xf32, #tpu.memory_space<vmem>>, vector<16xf32>,
        tpu.vector_store %arg11[%parallel_loop3A_173, %parallel_loop3A_174], %parallel_loop3A_169 {strides = array<i32>} : memref<4x2048xf32, #tpu.memory_space<vmem>>, vector<16xf32>,
        %parallel_loop3A_176 = arith.constant 1 : i32
        %parallel_loop3A_177 = vector.broadcast %parallel_loop3A_176 : i32 to vector<16xi32>
        %parallel_loop3A_178 = tpu.vector_load_idx %arg7[%parallel_loop3A_177, %parallel_loop3A_166] : memref<4x2048xf32, #tpu.memory_space<vmem>>[vector<16xi32>, vector<16xi32>], vector<16xf32>,
        %parallel_loop3A_179 = arith.constant 16 : i32
        %parallel_loop3A_180 = arith.muli %parallel_loop3A_162, %parallel_loop3A_179 : i32
        %parallel_loop3A_181 = arith.constant 1 : i32
        %parallel_loop3A_182 = arith.index_cast %parallel_loop3A_181 : i32 to index
        %parallel_loop3A_183 = arith.index_cast %parallel_loop3A_180 : i32 to index
        %parallel_loop3A_184 = tpu.vector_load %arg11[%parallel_loop3A_182, %parallel_loop3A_183] {strides = array<i32>} : memref<4x2048xf32, #tpu.memory_space<vmem>>, vector<16xf32>,
        tpu.vector_store %arg11[%parallel_loop3A_182, %parallel_loop3A_183], %parallel_loop3A_178 {strides = array<i32>} : memref<4x2048xf32, #tpu.memory_space<vmem>>, vector<16xf32>,
        %parallel_loop3A_185 = arith.constant 2 : i32
        %parallel_loop3A_186 = vector.broadcast %parallel_loop3A_185 : i32 to vector<16xi32>
        %parallel_loop3A_187 = tpu.vector_load_idx %arg7[%parallel_loop3A_186, %parallel_loop3A_166] : memref<4x2048xf32, #tpu.memory_space<vmem>>[vector<16xi32>, vector<16xi32>], vector<16xf32>,
        %parallel_loop3A_188 = arith.constant 16 : i32
        %parallel_loop3A_189 = arith.muli %parallel_loop3A_162, %parallel_loop3A_188 : i32
        %parallel_loop3A_190 = arith.constant 2 : i32
        %parallel_loop3A_191 = arith.index_cast %parallel_loop3A_190 : i32 to index
        %parallel_loop3A_192 = arith.index_cast %parallel_loop3A_189 : i32 to index
        %parallel_loop3A_193 = tpu.vector_load %arg11[%parallel_loop3A_191, %parallel_loop3A_192] {strides = array<i32>} : memref<4x2048xf32, #tpu.memory_space<vmem>>, vector<16xf32>,
        tpu.vector_store %arg11[%parallel_loop3A_191, %parallel_loop3A_192], %parallel_loop3A_187 {strides = array<i32>} : memref<4x2048xf32, #tpu.memory_space<vmem>>, vector<16xf32>,
        %parallel_loop3A_194 = arith.constant 3 : i32
        %parallel_loop3A_195 = vector.broadcast %parallel_loop3A_194 : i32 to vector<16xi32>
        %parallel_loop3A_196 = tpu.vector_load_idx %arg7[%parallel_loop3A_195, %parallel_loop3A_166] : memref<4x2048xf32, #tpu.memory_space<vmem>>[vector<16xi32>, vector<16xi32>], vector<16xf32>,
        %parallel_loop3A_197 = arith.constant 16 : i32
        %parallel_loop3A_198 = arith.muli %parallel_loop3A_162, %parallel_loop3A_197 : i32
        %parallel_loop3A_199 = arith.constant 3 : i32
        %parallel_loop3A_200 = arith.index_cast %parallel_loop3A_199 : i32 to index
        %parallel_loop3A_201 = arith.index_cast %parallel_loop3A_198 : i32 to index
        %parallel_loop3A_202 = tpu.vector_load %arg11[%parallel_loop3A_200, %parallel_loop3A_201] {strides = array<i32>} : memref<4x2048xf32, #tpu.memory_space<vmem>>, vector<16xf32>,
        tpu.vector_store %arg11[%parallel_loop3A_200, %parallel_loop3A_201], %parallel_loop3A_196 {strides = array<i32>} : memref<4x2048xf32, #tpu.memory_space<vmem>>, vector<16xf32>,
      } {sc.loop_unroll_factor = 8 : i64, sc.parallel_access}
      %dma_start3A_97 = arith.constant 0 : i32
      %dma_start3A_98 = tpu.memref_slice %arg4[%add3A_84, %dma_start3A_97] : memref<8192x2048xf32, #tpu.memory_space<hbm>> -> memref<4x2048xf32, #tpu.memory_space<hbm>>
      %dma_start3A_99 = arith.constant 0 : i32
      %dma_start3A_100 = tpu.memref_slice %arg4[%add3A_84, %dma_start3A_99] : memref<8192x2048xf32, #tpu.memory_space<hbm>> -> memref<4x2048xf32, #tpu.memory_space<hbm>>
      tpu.enqueue_dma source(%arg11 : memref<4x2048xf32, #tpu.memory_space<vmem>>) target(%dma_start3A_100 : memref<4x2048xf32, #tpu.memory_space<hbm>>) target_semaphore(%arg19 : memref<!tpu.dma_semaphore, #tpu.memory_space<semaphore_mem>>)
      %lt3A_101 = arith.constant 15 : i32
      %lt3A_102 = arith.cmpi slt, %scan3A_54, %lt3A_101 : i32
      %convert_element_type3A_103 = arith.extui %lt3A_102 : i1 to i32
      %cond3A_104 = arith.constant 0 : i32
      %cond3A_105 = arith.cmpi ne, %convert_element_type3A_103, %cond3A_104 : i32
      scf.if %cond3A_105 {
        %add3A_162 = arith.constant 16 : i32
        %add3A_163 = arith.addi %add3A_84, %add3A_162 : i32
        %dma_start3A_164 = arith.constant 0 : i32
        %dma_start3A_165 = tpu.memref_slice %arg2[%add3A_163, %dma_start3A_164] : memref<8192x2048xf32, #tpu.memory_space<hbm>> -> memref<4x2048xf32, #tpu.memory_space<hbm>>
        %dma_start3A_166 = arith.constant 0 : i32
        %dma_start3A_167 = tpu.memref_slice %arg2[%add3A_163, %dma_start3A_166] : memref<8192x2048xf32, #tpu.memory_space<hbm>> -> memref<4x2048xf32, #tpu.memory_space<hbm>>
        tpu.enqueue_dma source(%dma_start3A_167 : memref<4x2048xf32, #tpu.memory_space<hbm>>) target(%arg7 : memref<4x2048xf32, #tpu.memory_space<vmem>>) target_semaphore(%arg15 : memref<!tpu.dma_semaphore, #tpu.memory_space<semaphore_mem>>)
      } else {
      }
      %mul3A_106 = arith.constant 4 : i32
      %mul3A_107 = arith.muli %scan3A_54, %mul3A_106 : i32
      %add3A_108 = arith.constant 2 : i32
      %add3A_109 = arith.addi %mul3A_107, %add3A_108 : i32
      %mul3A_110 = arith.constant 4 : i32
      %mul3A_111 = arith.muli %add3A_109, %mul3A_110 : i32
      %add3A_112 = arith.addi %mul3A_2, %mul3A_111 : i32
      %dma_wait3A_113 = arith.constant 0 : i32
      %dma_wait3A_114 = tpu.memref_slice %arg2[%add3A_112, %dma_wait3A_113] : memref<8192x2048xf32, #tpu.memory_space<hbm>> -> memref<4x2048xf32, #tpu.memory_space<hbm>>
      %dma_wait3A_115 = arith.constant 0 : i32
      %dma_wait3A_116 = tpu.memref_slice %arg2[%add3A_112, %dma_wait3A_115] : memref<8192x2048xf32, #tpu.memory_space<hbm>> -> memref<4x2048xf32, #tpu.memory_space<hbm>>
      tpu.wait_dma2 semaphore(%arg16 : memref<!tpu.dma_semaphore, #tpu.memory_space<semaphore_mem>>) src(%dma_wait3A_116 : memref<4x2048xf32, #tpu.memory_space<hbm>>) dst(%arg8 : memref<4x2048xf32, #tpu.memory_space<vmem>>)
      %gt3A_117 = arith.constant 0 : i32
      %gt3A_118 = arith.cmpi sgt, %scan3A_54, %gt3A_117 : i32
      %convert_element_type3A_119 = arith.extui %gt3A_118 : i1 to i32
      %cond3A_120 = arith.constant 0 : i32
      %cond3A_121 = arith.cmpi ne, %convert_element_type3A_119, %cond3A_120 : i32
      scf.if %cond3A_121 {
        %sub3A = arith.constant 16 : i32
        %sub3A_162 = arith.subi %add3A_112, %sub3A : i32
        %dma_wait3A_163 = arith.constant 0 : i32
        %dma_wait3A_164 = tpu.memref_slice %arg4[%sub3A_162, %dma_wait3A_163] : memref<8192x2048xf32, #tpu.memory_space<hbm>> -> memref<4x2048xf32, #tpu.memory_space<hbm>>
        %dma_wait3A_165 = arith.constant 0 : i32
        %dma_wait3A_166 = tpu.memref_slice %arg4[%sub3A_162, %dma_wait3A_165] : memref<8192x2048xf32, #tpu.memory_space<hbm>> -> memref<4x2048xf32, #tpu.memory_space<hbm>>
        tpu.wait_dma2 semaphore(%arg20 : memref<!tpu.dma_semaphore, #tpu.memory_space<semaphore_mem>>) src(%arg12 : memref<4x2048xf32, #tpu.memory_space<vmem>>) dst(%dma_wait3A_166 : memref<4x2048xf32, #tpu.memory_space<hbm>>)
      } else {
      }
      %parallel_loop3A_122 = arith.constant 0 : i32
      %parallel_loop3A_123 = arith.constant 128 : i32
      %parallel_loop3A_124 = arith.constant 1 : i32
      scf.for %parallel_loop3A_162 = %parallel_loop3A_122 to %parallel_loop3A_123 step %parallel_loop3A_124  : i32 {
        %parallel_loop3A_163 = arith.constant 16 : i32
        %parallel_loop3A_164 = arith.muli %parallel_loop3A_162, %parallel_loop3A_163 : i32
        %parallel_loop3A_165 = arith.index_cast %parallel_loop3A_164 : i32 to index
        %parallel_loop3A_166 = tpu.vector_load %arg5[%parallel_loop3A_165] {strides = array<i32>} : memref<2048xi32, #tpu.memory_space<vmem>>, vector<16xi32>,
        %parallel_loop3A_167 = arith.constant 0 : i32
        %parallel_loop3A_168 = vector.broadcast %parallel_loop3A_167 : i32 to vector<16xi32>
        %parallel_loop3A_169 = tpu.vector_load_idx %arg8[%parallel_loop3A_168, %parallel_loop3A_166] : memref<4x2048xf32, #tpu.memory_space<vmem>>[vector<16xi32>, vector<16xi32>], vector<16xf32>,
        %parallel_loop3A_170 = arith.constant 16 : i32
        %parallel_loop3A_171 = arith.muli %parallel_loop3A_162, %parallel_loop3A_170 : i32
        %parallel_loop3A_172 = arith.constant 0 : i32
        %parallel_loop3A_173 = arith.index_cast %parallel_loop3A_172 : i32 to index
        %parallel_loop3A_174 = arith.index_cast %parallel_loop3A_171 : i32 to index
        %parallel_loop3A_175 = tpu.vector_load %arg12[%parallel_loop3A_173, %parallel_loop3A_174] {strides = array<i32>} : memref<4x2048xf32, #tpu.memory_space<vmem>>, vector<16xf32>,
        tpu.vector_store %arg12[%parallel_loop3A_173, %parallel_loop3A_174], %parallel_loop3A_169 {strides = array<i32>} : memref<4x2048xf32, #tpu.memory_space<vmem>>, vector<16xf32>,
        %parallel_loop3A_176 = arith.constant 1 : i32
        %parallel_loop3A_177 = vector.broadcast %parallel_loop3A_176 : i32 to vector<16xi32>
        %parallel_loop3A_178 = tpu.vector_load_idx %arg8[%parallel_loop3A_177, %parallel_loop3A_166] : memref<4x2048xf32, #tpu.memory_space<vmem>>[vector<16xi32>, vector<16xi32>], vector<16xf32>,
        %parallel_loop3A_179 = arith.constant 16 : i32
        %parallel_loop3A_180 = arith.muli %parallel_loop3A_162, %parallel_loop3A_179 : i32
        %parallel_loop3A_181 = arith.constant 1 : i32
        %parallel_loop3A_182 = arith.index_cast %parallel_loop3A_181 : i32 to index
        %parallel_loop3A_183 = arith.index_cast %parallel_loop3A_180 : i32 to index
        %parallel_loop3A_184 = tpu.vector_load %arg12[%parallel_loop3A_182, %parallel_loop3A_183] {strides = array<i32>} : memref<4x2048xf32, #tpu.memory_space<vmem>>, vector<16xf32>,
        tpu.vector_store %arg12[%parallel_loop3A_182, %parallel_loop3A_183], %parallel_loop3A_178 {strides = array<i32>} : memref<4x2048xf32, #tpu.memory_space<vmem>>, vector<16xf32>,
        %parallel_loop3A_185 = arith.constant 2 : i32
        %parallel_loop3A_186 = vector.broadcast %parallel_loop3A_185 : i32 to vector<16xi32>
        %parallel_loop3A_187 = tpu.vector_load_idx %arg8[%parallel_loop3A_186, %parallel_loop3A_166] : memref<4x2048xf32, #tpu.memory_space<vmem>>[vector<16xi32>, vector<16xi32>], vector<16xf32>,
        %parallel_loop3A_188 = arith.constant 16 : i32
        %parallel_loop3A_189 = arith.muli %parallel_loop3A_162, %parallel_loop3A_188 : i32
        %parallel_loop3A_190 = arith.constant 2 : i32
        %parallel_loop3A_191 = arith.index_cast %parallel_loop3A_190 : i32 to index
        %parallel_loop3A_192 = arith.index_cast %parallel_loop3A_189 : i32 to index
        %parallel_loop3A_193 = tpu.vector_load %arg12[%parallel_loop3A_191, %parallel_loop3A_192] {strides = array<i32>} : memref<4x2048xf32, #tpu.memory_space<vmem>>, vector<16xf32>,
        tpu.vector_store %arg12[%parallel_loop3A_191, %parallel_loop3A_192], %parallel_loop3A_187 {strides = array<i32>} : memref<4x2048xf32, #tpu.memory_space<vmem>>, vector<16xf32>,
        %parallel_loop3A_194 = arith.constant 3 : i32
        %parallel_loop3A_195 = vector.broadcast %parallel_loop3A_194 : i32 to vector<16xi32>
        %parallel_loop3A_196 = tpu.vector_load_idx %arg8[%parallel_loop3A_195, %parallel_loop3A_166] : memref<4x2048xf32, #tpu.memory_space<vmem>>[vector<16xi32>, vector<16xi32>], vector<16xf32>,
        %parallel_loop3A_197 = arith.constant 16 : i32
        %parallel_loop3A_198 = arith.muli %parallel_loop3A_162, %parallel_loop3A_197 : i32
        %parallel_loop3A_199 = arith.constant 3 : i32
        %parallel_loop3A_200 = arith.index_cast %parallel_loop3A_199 : i32 to index
        %parallel_loop3A_201 = arith.index_cast %parallel_loop3A_198 : i32 to index
        %parallel_loop3A_202 = tpu.vector_load %arg12[%parallel_loop3A_200, %parallel_loop3A_201] {strides = array<i32>} : memref<4x2048xf32, #tpu.memory_space<vmem>>, vector<16xf32>,
        tpu.vector_store %arg12[%parallel_loop3A_200, %parallel_loop3A_201], %parallel_loop3A_196 {strides = array<i32>} : memref<4x2048xf32, #tpu.memory_space<vmem>>, vector<16xf32>,
      } {sc.loop_unroll_factor = 8 : i64, sc.parallel_access}
      %dma_start3A_125 = arith.constant 0 : i32
      %dma_start3A_126 = tpu.memref_slice %arg4[%add3A_112, %dma_start3A_125] : memref<8192x2048xf32, #tpu.memory_space<hbm>> -> memref<4x2048xf32, #tpu.memory_space<hbm>>
      %dma_start3A_127 = arith.constant 0 : i32
      %dma_start3A_128 = tpu.memref_slice %arg4[%add3A_112, %dma_start3A_127] : memref<8192x2048xf32, #tpu.memory_space<hbm>> -> memref<4x2048xf32, #tpu.memory_space<hbm>>
      tpu.enqueue_dma source(%arg12 : memref<4x2048xf32, #tpu.memory_space<vmem>>) target(%dma_start3A_128 : memref<4x2048xf32, #tpu.memory_space<hbm>>) target_semaphore(%arg20 : memref<!tpu.dma_semaphore, #tpu.memory_space<semaphore_mem>>)
      %lt3A_129 = arith.constant 15 : i32
      %lt3A_130 = arith.cmpi slt, %scan3A_54, %lt3A_129 : i32
      %convert_element_type3A_131 = arith.extui %lt3A_130 : i1 to i32
      %cond3A_132 = arith.constant 0 : i32
      %cond3A_133 = arith.cmpi ne, %convert_element_type3A_131, %cond3A_132 : i32
      scf.if %cond3A_133 {
        %add3A_162 = arith.constant 16 : i32
        %add3A_163 = arith.addi %add3A_112, %add3A_162 : i32
        %dma_start3A_164 = arith.constant 0 : i32
        %dma_start3A_165 = tpu.memref_slice %arg2[%add3A_163, %dma_start3A_164] : memref<8192x2048xf32, #tpu.memory_space<hbm>> -> memref<4x2048xf32, #tpu.memory_space<hbm>>
        %dma_start3A_166 = arith.constant 0 : i32
        %dma_start3A_167 = tpu.memref_slice %arg2[%add3A_163, %dma_start3A_166] : memref<8192x2048xf32, #tpu.memory_space<hbm>> -> memref<4x2048xf32, #tpu.memory_space<hbm>>
        tpu.enqueue_dma source(%dma_start3A_167 : memref<4x2048xf32, #tpu.memory_space<hbm>>) target(%arg8 : memref<4x2048xf32, #tpu.memory_space<vmem>>) target_semaphore(%arg16 : memref<!tpu.dma_semaphore, #tpu.memory_space<semaphore_mem>>)
      } else {
      }
      %mul3A_134 = arith.constant 4 : i32
      %mul3A_135 = arith.muli %scan3A_54, %mul3A_134 : i32
      %add3A_136 = arith.constant 3 : i32
      %add3A_137 = arith.addi %mul3A_135, %add3A_136 : i32
      %mul3A_138 = arith.constant 4 : i32
      %mul3A_139 = arith.muli %add3A_137, %mul3A_138 : i32
      %add3A_140 = arith.addi %mul3A_2, %mul3A_139 : i32
      %dma_wait3A_141 = arith.constant 0 : i32
      %dma_wait3A_142 = tpu.memref_slice %arg2[%add3A_140, %dma_wait3A_141] : memref<8192x2048xf32, #tpu.memory_space<hbm>> -> memref<4x2048xf32, #tpu.memory_space<hbm>>
      %dma_wait3A_143 = arith.constant 0 : i32
      %dma_wait3A_144 = tpu.memref_slice %arg2[%add3A_140, %dma_wait3A_143] : memref<8192x2048xf32, #tpu.memory_space<hbm>> -> memref<4x2048xf32, #tpu.memory_space<hbm>>
      tpu.wait_dma2 semaphore(%arg17 : memref<!tpu.dma_semaphore, #tpu.memory_space<semaphore_mem>>) src(%dma_wait3A_144 : memref<4x2048xf32, #tpu.memory_space<hbm>>) dst(%arg9 : memref<4x2048xf32, #tpu.memory_space<vmem>>)
      %gt3A_145 = arith.constant 0 : i32
      %gt3A_146 = arith.cmpi sgt, %scan3A_54, %gt3A_145 : i32
      %convert_element_type3A_147 = arith.extui %gt3A_146 : i1 to i32
      %cond3A_148 = arith.constant 0 : i32
      %cond3A_149 = arith.cmpi ne, %convert_element_type3A_147, %cond3A_148 : i32
      scf.if %cond3A_149 {
        %sub3A = arith.constant 16 : i32
        %sub3A_162 = arith.subi %add3A_140, %sub3A : i32
        %dma_wait3A_163 = arith.constant 0 : i32
        %dma_wait3A_164 = tpu.memref_slice %arg4[%sub3A_162, %dma_wait3A_163] : memref<8192x2048xf32, #tpu.memory_space<hbm>> -> memref<4x2048xf32, #tpu.memory_space<hbm>>
        %dma_wait3A_165 = arith.constant 0 : i32
        %dma_wait3A_166 = tpu.memref_slice %arg4[%sub3A_162, %dma_wait3A_165] : memref<8192x2048xf32, #tpu.memory_space<hbm>> -> memref<4x2048xf32, #tpu.memory_space<hbm>>
        tpu.wait_dma2 semaphore(%arg21 : memref<!tpu.dma_semaphore, #tpu.memory_space<semaphore_mem>>) src(%arg13 : memref<4x2048xf32, #tpu.memory_space<vmem>>) dst(%dma_wait3A_166 : memref<4x2048xf32, #tpu.memory_space<hbm>>)
      } else {
      }
      %parallel_loop3A_150 = arith.constant 0 : i32
      %parallel_loop3A_151 = arith.constant 128 : i32
      %parallel_loop3A_152 = arith.constant 1 : i32
      scf.for %parallel_loop3A_162 = %parallel_loop3A_150 to %parallel_loop3A_151 step %parallel_loop3A_152  : i32 {
        %parallel_loop3A_163 = arith.constant 16 : i32
        %parallel_loop3A_164 = arith.muli %parallel_loop3A_162, %parallel_loop3A_163 : i32
        %parallel_loop3A_165 = arith.index_cast %parallel_loop3A_164 : i32 to index
        %parallel_loop3A_166 = tpu.vector_load %arg5[%parallel_loop3A_165] {strides = array<i32>} : memref<2048xi32, #tpu.memory_space<vmem>>, vector<16xi32>,
        %parallel_loop3A_167 = arith.constant 0 : i32
        %parallel_loop3A_168 = vector.broadcast %parallel_loop3A_167 : i32 to vector<16xi32>
        %parallel_loop3A_169 = tpu.vector_load_idx %arg9[%parallel_loop3A_168, %parallel_loop3A_166] : memref<4x2048xf32, #tpu.memory_space<vmem>>[vector<16xi32>, vector<16xi32>], vector<16xf32>,
        %parallel_loop3A_170 = arith.constant 16 : i32
        %parallel_loop3A_171 = arith.muli %parallel_loop3A_162, %parallel_loop3A_170 : i32
        %parallel_loop3A_172 = arith.constant 0 : i32
        %parallel_loop3A_173 = arith.index_cast %parallel_loop3A_172 : i32 to index
        %parallel_loop3A_174 = arith.index_cast %parallel_loop3A_171 : i32 to index
        %parallel_loop3A_175 = tpu.vector_load %arg13[%parallel_loop3A_173, %parallel_loop3A_174] {strides = array<i32>} : memref<4x2048xf32, #tpu.memory_space<vmem>>, vector<16xf32>,
        tpu.vector_store %arg13[%parallel_loop3A_173, %parallel_loop3A_174], %parallel_loop3A_169 {strides = array<i32>} : memref<4x2048xf32, #tpu.memory_space<vmem>>, vector<16xf32>,
        %parallel_loop3A_176 = arith.constant 1 : i32
        %parallel_loop3A_177 = vector.broadcast %parallel_loop3A_176 : i32 to vector<16xi32>
        %parallel_loop3A_178 = tpu.vector_load_idx %arg9[%parallel_loop3A_177, %parallel_loop3A_166] : memref<4x2048xf32, #tpu.memory_space<vmem>>[vector<16xi32>, vector<16xi32>], vector<16xf32>,
        %parallel_loop3A_179 = arith.constant 16 : i32
        %parallel_loop3A_180 = arith.muli %parallel_loop3A_162, %parallel_loop3A_179 : i32
        %parallel_loop3A_181 = arith.constant 1 : i32
        %parallel_loop3A_182 = arith.index_cast %parallel_loop3A_181 : i32 to index
        %parallel_loop3A_183 = arith.index_cast %parallel_loop3A_180 : i32 to index
        %parallel_loop3A_184 = tpu.vector_load %arg13[%parallel_loop3A_182, %parallel_loop3A_183] {strides = array<i32>} : memref<4x2048xf32, #tpu.memory_space<vmem>>, vector<16xf32>,
        tpu.vector_store %arg13[%parallel_loop3A_182, %parallel_loop3A_183], %parallel_loop3A_178 {strides = array<i32>} : memref<4x2048xf32, #tpu.memory_space<vmem>>, vector<16xf32>,
        %parallel_loop3A_185 = arith.constant 2 : i32
        %parallel_loop3A_186 = vector.broadcast %parallel_loop3A_185 : i32 to vector<16xi32>
        %parallel_loop3A_187 = tpu.vector_load_idx %arg9[%parallel_loop3A_186, %parallel_loop3A_166] : memref<4x2048xf32, #tpu.memory_space<vmem>>[vector<16xi32>, vector<16xi32>], vector<16xf32>,
        %parallel_loop3A_188 = arith.constant 16 : i32
        %parallel_loop3A_189 = arith.muli %parallel_loop3A_162, %parallel_loop3A_188 : i32
        %parallel_loop3A_190 = arith.constant 2 : i32
        %parallel_loop3A_191 = arith.index_cast %parallel_loop3A_190 : i32 to index
        %parallel_loop3A_192 = arith.index_cast %parallel_loop3A_189 : i32 to index
        %parallel_loop3A_193 = tpu.vector_load %arg13[%parallel_loop3A_191, %parallel_loop3A_192] {strides = array<i32>} : memref<4x2048xf32, #tpu.memory_space<vmem>>, vector<16xf32>,
        tpu.vector_store %arg13[%parallel_loop3A_191, %parallel_loop3A_192], %parallel_loop3A_187 {strides = array<i32>} : memref<4x2048xf32, #tpu.memory_space<vmem>>, vector<16xf32>,
        %parallel_loop3A_194 = arith.constant 3 : i32
        %parallel_loop3A_195 = vector.broadcast %parallel_loop3A_194 : i32 to vector<16xi32>
        %parallel_loop3A_196 = tpu.vector_load_idx %arg9[%parallel_loop3A_195, %parallel_loop3A_166] : memref<4x2048xf32, #tpu.memory_space<vmem>>[vector<16xi32>, vector<16xi32>], vector<16xf32>,
        %parallel_loop3A_197 = arith.constant 16 : i32
        %parallel_loop3A_198 = arith.muli %parallel_loop3A_162, %parallel_loop3A_197 : i32
        %parallel_loop3A_199 = arith.constant 3 : i32
        %parallel_loop3A_200 = arith.index_cast %parallel_loop3A_199 : i32 to index
        %parallel_loop3A_201 = arith.index_cast %parallel_loop3A_198 : i32 to index
        %parallel_loop3A_202 = tpu.vector_load %arg13[%parallel_loop3A_200, %parallel_loop3A_201] {strides = array<i32>} : memref<4x2048xf32, #tpu.memory_space<vmem>>, vector<16xf32>,
        tpu.vector_store %arg13[%parallel_loop3A_200, %parallel_loop3A_201], %parallel_loop3A_196 {strides = array<i32>} : memref<4x2048xf32, #tpu.memory_space<vmem>>, vector<16xf32>,
      } {sc.loop_unroll_factor = 8 : i64, sc.parallel_access}
      %dma_start3A_153 = arith.constant 0 : i32
      %dma_start3A_154 = tpu.memref_slice %arg4[%add3A_140, %dma_start3A_153] : memref<8192x2048xf32, #tpu.memory_space<hbm>> -> memref<4x2048xf32, #tpu.memory_space<hbm>>
      %dma_start3A_155 = arith.constant 0 : i32
      %dma_start3A_156 = tpu.memref_slice %arg4[%add3A_140, %dma_start3A_155] : memref<8192x2048xf32, #tpu.memory_space<hbm>> -> memref<4x2048xf32, #tpu.memory_space<hbm>>
      tpu.enqueue_dma source(%arg13 : memref<4x2048xf32, #tpu.memory_space<vmem>>) target(%dma_start3A_156 : memref<4x2048xf32, #tpu.memory_space<hbm>>) target_semaphore(%arg21 : memref<!tpu.dma_semaphore, #tpu.memory_space<semaphore_mem>>)
      %lt3A_157 = arith.constant 15 : i32
      %lt3A_158 = arith.cmpi slt, %scan3A_54, %lt3A_157 : i32
      %convert_element_type3A_159 = arith.extui %lt3A_158 : i1 to i32
      %cond3A_160 = arith.constant 0 : i32
      %cond3A_161 = arith.cmpi ne, %convert_element_type3A_159, %cond3A_160 : i32
      scf.if %cond3A_161 {
        %add3A_162 = arith.constant 16 : i32
        %add3A_163 = arith.addi %add3A_140, %add3A_162 : i32
        %dma_start3A_164 = arith.constant 0 : i32
        %dma_start3A_165 = tpu.memref_slice %arg2[%add3A_163, %dma_start3A_164] : memref<8192x2048xf32, #tpu.memory_space<hbm>> -> memref<4x2048xf32, #tpu.memory_space<hbm>>
        %dma_start3A_166 = arith.constant 0 : i32
        %dma_start3A_167 = tpu.memref_slice %arg2[%add3A_163, %dma_start3A_166] : memref<8192x2048xf32, #tpu.memory_space<hbm>> -> memref<4x2048xf32, #tpu.memory_space<hbm>>
        tpu.enqueue_dma source(%dma_start3A_167 : memref<4x2048xf32, #tpu.memory_space<hbm>>) target(%arg9 : memref<4x2048xf32, #tpu.memory_space<vmem>>) target_semaphore(%arg17 : memref<!tpu.dma_semaphore, #tpu.memory_space<semaphore_mem>>)
      } else {
      }
    }
    %scan3A_30 = arith.constant 16 : i32
    %add3A_31 = arith.constant 240 : i32
    %add3A_32 = arith.addi %mul3A_2, %add3A_31 : i32
    %dma_wait3A = arith.constant 0 : i32
    %dma_wait3A_33 = tpu.memref_slice %arg4[%add3A_32, %dma_wait3A] : memref<8192x2048xf32, #tpu.memory_space<hbm>> -> memref<4x2048xf32, #tpu.memory_space<hbm>>
    %dma_wait3A_34 = arith.constant 0 : i32
    %dma_wait3A_35 = tpu.memref_slice %arg4[%add3A_32, %dma_wait3A_34] : memref<8192x2048xf32, #tpu.memory_space<hbm>> -> memref<4x2048xf32, #tpu.memory_space<hbm>>
    tpu.wait_dma2 semaphore(%arg18 : memref<!tpu.dma_semaphore, #tpu.memory_space<semaphore_mem>>) src(%arg10 : memref<4x2048xf32, #tpu.memory_space<vmem>>) dst(%dma_wait3A_35 : memref<4x2048xf32, #tpu.memory_space<hbm>>)
    %add3A_36 = arith.constant 244 : i32
    %add3A_37 = arith.addi %mul3A_2, %add3A_36 : i32
    %dma_wait3A_38 = arith.constant 0 : i32
    %dma_wait3A_39 = tpu.memref_slice %arg4[%add3A_37, %dma_wait3A_38] : memref<8192x2048xf32, #tpu.memory_space<hbm>> -> memref<4x2048xf32, #tpu.memory_space<hbm>>
    %dma_wait3A_40 = arith.constant 0 : i32
    %dma_wait3A_41 = tpu.memref_slice %arg4[%add3A_37, %dma_wait3A_40] : memref<8192x2048xf32, #tpu.memory_space<hbm>> -> memref<4x2048xf32, #tpu.memory_space<hbm>>
    tpu.wait_dma2 semaphore(%arg19 : memref<!tpu.dma_semaphore, #tpu.memory_space<semaphore_mem>>) src(%arg11 : memref<4x2048xf32, #tpu.memory_space<vmem>>) dst(%dma_wait3A_41 : memref<4x2048xf32, #tpu.memory_space<hbm>>)
    %add3A_42 = arith.constant 248 : i32
    %add3A_43 = arith.addi %mul3A_2, %add3A_42 : i32
    %dma_wait3A_44 = arith.constant 0 : i32
    %dma_wait3A_45 = tpu.memref_slice %arg4[%add3A_43, %dma_wait3A_44] : memref<8192x2048xf32, #tpu.memory_space<hbm>> -> memref<4x2048xf32, #tpu.memory_space<hbm>>
    %dma_wait3A_46 = arith.constant 0 : i32
    %dma_wait3A_47 = tpu.memref_slice %arg4[%add3A_43, %dma_wait3A_46] : memref<8192x2048xf32, #tpu.memory_space<hbm>> -> memref<4x2048xf32, #tpu.memory_space<hbm>>
    tpu.wait_dma2 semaphore(%arg20 : memref<!tpu.dma_semaphore, #tpu.memory_space<semaphore_mem>>) src(%arg12 : memref<4x2048xf32, #tpu.memory_space<vmem>>) dst(%dma_wait3A_47 : memref<4x2048xf32, #tpu.memory_space<hbm>>)
    %add3A_48 = arith.constant 252 : i32
    %add3A_49 = arith.addi %mul3A_2, %add3A_48 : i32
    %dma_wait3A_50 = arith.constant 0 : i32
    %dma_wait3A_51 = tpu.memref_slice %arg4[%add3A_49, %dma_wait3A_50] : memref<8192x2048xf32, #tpu.memory_space<hbm>> -> memref<4x2048xf32, #tpu.memory_space<hbm>>
    %dma_wait3A_52 = arith.constant 0 : i32
    %dma_wait3A_53 = tpu.memref_slice %arg4[%add3A_49, %dma_wait3A_52] : memref<8192x2048xf32, #tpu.memory_space<hbm>> -> memref<4x2048xf32, #tpu.memory_space<hbm>>
    tpu.wait_dma2 semaphore(%arg21 : memref<!tpu.dma_semaphore, #tpu.memory_space<semaphore_mem>>) src(%arg13 : memref<4x2048xf32, #tpu.memory_space<vmem>>) dst(%dma_wait3A_53 : memref<4x2048xf32, #tpu.memory_space<hbm>>)
    return
  }
}

</mosaic_0001>

<sc_bundles>
// kernel: kernel.3.cloned.1.call-start
scs
__scs_entry_jumppad:
0x0: {  	(pc) =	sbr.rel $0x88, $3  }
0x1: {  	(tag) =	ssettag $0x0;
	lr =	simm.s32 $0x1  }
0x2: {  	[smem:$0x3F9F] =	sst lr;
	_ =	strace $0xD0000000  }
0x3: {  	_ = 	snop  }
0x4: {  	_ = 	snop  }
0x5: {  	_ = 	snop  }
0x6: {  	_ = 	snop  }
0x7: {  	_ = 	snop  }
__scs_overlays_trampoline_lowered:
0x8: {  	[smem:$0x3FAE] =	sst s0  }
0x9: {  	[smem:$0x3FAF] =	sst s1  }
0xa: {  	[smem:$0x3FB0] =	sst s2  }
0xb: {  	[smem:$0x3FB1] =	sst s3  }
0xc: {  	[smem:$0x3FB2] =	sst s4  }
0xd: {  	[smem:$0x3FB3] =	sst s5  }
0xe: {  	[smem:$0x3FB4] =	sst s6  }
0xf: {  	[smem:$0x3FB5] =	sst s7  }
0x10: {  	[smem:$0x3FB6] =	sst s8  }
0x11: {  	[smem:$0x3FB7] =	sst s9;
	s0 =	simm.s32 @!p0 $0x0  }
0x12: {  	s1 =	sld [smem:$0x3F9D];
	s0 =	simm.s32 @p0 $0x1  }
0x13: {  	[smem:$0x3FB8] =	sst s0;
	s0 =	simm.s32 @!p1 $0x0  }
0x14: {  	s2 =	sld [smem:$0x3F9C];
	s0 =	simm.s32 @p1 $0x1  }
0x15: {  	[smem:$0x3FB9] =	sst s0;
	s0 =	simm.s32 @!p2 $0x0  }
0x16: {  	s3 =	sld [smem:$0x3FDB];
	s0 =	simm.s32 @p2 $0x1  }
0x17: {  	s4 =	simm.s32 $0x1BF5;
	[smem:$0x3FBB] =	sst s0  }
0x18: {  	s0 =	sld [smem:$0x3F9E];
	_ =	swait.ge [sflag:s4], $0x0  }
0x19: {  	s7 =	sld [smem:$0x3F9F]  }
0x1a: {  	s8 =	sadd.s32 $0xFFFFE003, lr  }
0x1b: {  	s9 =	sadd.s32 $0xFFFFFEF7, lr;
	s5 =	simm.s32 $0xFFFFFFFF;
	p2 =	slt.u32 s8, $0xFFFFF086  }
0x1c: {  	p1 =	slt.u32 s9, $0xF7A;
	s5 =	simm.s32 @!p2 $0x0  }
0x1d: {  	s5 =	simm.s32 @p1 $0x1;
	p0 =	seq.s32 s7, s2  }
0x1e: {  	s7 =	smul.u32 @!p0 $0xF7A, s2;
	p2 =	seq.s32 @!p0 s5, $0x0  }
0x1f: {  	s9 =	smul.u32 $0xF7A, s1;
	s8 =	simm.s32 @!p0 $0x1BF5;
	p2 =	por !p2, p0  }
0x20: {  	[sflag:s8] =	ssyncset.s32 @!p0 $0xFFFFF086;
	s6 =	sadd.s32 @!p0 s3, s7;
	s7 =	simm.s32 @!p0 $0x108  }
0x21: {  	s3 =	sadd.s32 s3, s9;
	s6 =	sadd.s32 @!p0 $0x88, s6;
	s7 =	simm.s32 @p2 $0x1082  }
0x22: {  	[simem:s7], [sflag:s8] =	dma.local @!p0 [hbm:s6], $0xF7A  }
0x23: {  	s9 =	sor.u32 $0xD0000000, s2;
	s6 =	simm.s32 $0x108;
	_ =	swait.ge @!p0 [sflag:s8], $0x0  }
0x24: {  	s3 =	sadd.s32 $0x88, s3;
	s6 =	simm.s32 @!p1 $0x1082;
	[sflag:s4] =	ssyncset.s32 $0xFFFFF086  }
0x25: {  	[simem:s6], [sflag:s4] =	dma.local [hbm:s3], $0xF7A  }
0x26: {  	[smem:$0x3F9F] =	sst s1;
	(tag) =	ssettag s2;
	_ =	strace s9  }
0x27: {  	s1 =	sld [smem:$0x3FAF]  }
0x28: {  	s2 =	sld [smem:$0x3FB0]  }
0x29: {  	s4 =	sld [smem:$0x3FB2]  }
0x2a: {  	p0 =	seq.s32 s5, $0x0;
	s5 =	sld [smem:$0x3FB3]  }
0x2b: {  	s6 =	sld [smem:$0x3FB4]  }
0x2c: {  	s7 =	sld [smem:$0x3FB5]  }
0x2d: {  	s3 =	simm.s32 $0x108;
	s8 =	sld [smem:$0x3FB6]  }
0x2e: {  	s3 =	simm.s32 @!p0 $0x1082;
	s9 =	sld [smem:$0x3FB7]  }
0x2f: {  	lr =	sadd.s32 s0, s3;
	s0 =	sld [smem:$0x3FAE]  }
0x30: {  	s3 =	sld [smem:$0x3FB1]  }
0x31: {  	[smem:$0x3FBA] =	sst s10  }
0x32: {  	s10 =	sld [smem:$0x3FB8];
	_ =	sdelay $0x3  }
0x33: {  	p0 =	seq.s32 s10, $0x1;
	s10 =	sld [smem:$0x3FBA];
	_ =	sdelay $0x3  }
0x34: {  	[smem:$0x3FBA] =	sst s10  }
0x35: {  	s10 =	sld [smem:$0x3FB9];
	_ =	sdelay $0x3  }
0x36: {  	p1 =	seq.s32 s10, $0x1;
	s10 =	sld [smem:$0x3FBA];
	_ =	sdelay $0x3  }
0x37: {  	[smem:$0x3FBA] =	sst s10  }
0x38: {  	s10 =	sld [smem:$0x3FBB]  }
0x39: {  	_ = 	snop;
	(pc) =	sbr.ind lr, $3  }
0x3a: {  	_ = 	snop  }
0x3b: {  	_ = 	snop  }
0x3c: {  	p2 =	seq.s32 s10, $0x1;
	s10 =	sld [smem:$0x3FBA]  }
0x3d: {  	_ =	shalt  }
0x3e: {  	_ =	shalt  }
0x3f: {  	_ =	shalt  }
0x40: {  	_ =	shalt  }
0x41: {  	_ =	shalt  }
0x42: {  	_ =	shalt  }
0x43: {  	_ =	shalt  }
0x44: {  	_ =	shalt  }
0x45: {  	_ =	shalt  }
0x46: {  	_ =	shalt  }
0x47: {  	_ =	shalt  }
0x48: {  	_ =	shalt  }
0x49: {  	_ =	shalt  }
0x4a: {  	_ =	shalt  }
0x4b: {  	_ =	shalt  }
0x4c: {  	_ =	shalt  }
0x4d: {  	_ =	shalt  }
0x4e: {  	_ =	shalt  }
0x4f: {  	_ =	shalt  }
0x50: {  	_ =	shalt  }
0x51: {  	_ =	shalt  }
0x52: {  	_ =	shalt  }
0x53: {  	_ =	shalt  }
0x54: {  	_ =	shalt  }
0x55: {  	_ =	shalt  }
0x56: {  	_ =	shalt  }
0x57: {  	_ =	shalt  }
0x58: {  	_ =	shalt  }
0x59: {  	_ =	shalt  }
0x5a: {  	_ =	shalt  }
0x5b: {  	_ =	shalt  }
0x5c: {  	_ =	shalt  }
0x5d: {  	_ =	shalt  }
0x5e: {  	_ =	shalt  }
0x5f: {  	_ =	shalt  }
0x60: {  	_ =	shalt  }
0x61: {  	_ =	shalt  }
0x62: {  	_ =	shalt  }
0x63: {  	_ =	shalt  }
0x64: {  	_ =	shalt  }
0x65: {  	_ =	shalt  }
0x66: {  	_ =	shalt  }
0x67: {  	_ =	shalt  }
0x68: {  	_ =	shalt  }
0x69: {  	_ =	shalt  }
0x6a: {  	_ =	shalt  }
0x6b: {  	_ =	shalt  }
0x6c: {  	_ =	shalt  }
0x6d: {  	_ =	shalt  }
0x6e: {  	_ =	shalt  }
0x6f: {  	_ =	shalt  }
0x70: {  	_ =	shalt  }
0x71: {  	_ =	shalt  }
0x72: {  	_ =	shalt  }
0x73: {  	_ =	shalt  }
0x74: {  	_ =	shalt  }
0x75: {  	_ =	shalt  }
0x76: {  	_ =	shalt  }
0x77: {  	_ =	shalt  }
0x78: {  	_ =	shalt  }
0x79: {  	_ =	shalt  }
0x7a: {  	_ =	shalt  }
0x7b: {  	_ =	shalt  }
0x7c: {  	_ =	shalt  }
0x7d: {  	_ =	shalt  }
0x7e: {  	_ =	shalt  }
0x7f: {  	_ =	shalt  }
0x80: {  	_ =	shalt  }
0x81: {  	_ =	shalt  }
0x82: {  	_ =	shalt  }
0x83: {  	_ =	shalt  }
0x84: {  	_ =	shalt  }
0x85: {  	_ =	shalt  }
0x86: {  	_ =	shalt  }
0x87: {  	_ =	shalt  }
.Lfunc_end0:
.L_simem_size_0:
called_computation_lowered:
.L_overlay_start_0:
0x88: {  	s2 =	sld [smem:$0x3FD9]  }
0x89: {  	s3 =	sld [smem:$0x3FFE];
	_ =	sdelay $0x1  }
0x8a: {  	s1 =	srdreg.scid  }
0x8b: {  	s0 =	sand.u32 $0x1, s1  }
0x8c: {  	s18 =	sshll.u32 s0, $0xA;
	s2 =	sadd.s32 s3, s2  }
0x8d: {  	s2 =	sadd.s32 s2, s18  }
0x8e: {  	[smem:$0x3FC6] =	sst s2  }
0x8f: {  	_ = 	snop  }
0x90: {  	s2 =	sld [smem:$0x3FC9]  }
0x91: {  	s19 =	sld [smem:$0x3FC8]  }
0x92: {  	s4 =	sld [smem:$0x3FD0];
	(tm) =	ssettm $0x1  }
0x93: {  	s5 =	sld [smem:$0x3FFB];
	_ =	sdelay $0x3  }
0x94: {  	_ =	strace s5  }
0x95: {  	s5 =	sld [smem:$0x3FFC];
	_ =	sdelay $0x3  }
0x96: {  	_ =	strace s5  }
0x97: {  	s5 =	sld [smem:$0x3FFD];
	_ =	sdelay $0x3  }
0x98: {  	_ =	strace s5  }
0x99: {  	_ =	strace $0x8FFFFFFF  }
0x9a: {  	s20 =	sld [smem:$0x3FDB];
	_ =	sdelay $0x1  }
0x9b: {  	s6 =	simm.s32 $_scs_section_size  }
0x9c: {  	s7 =	simm.s32 $_size__tile_overlayer_lowered;
	s8 =	simm.s32 $_tile_overlayer_lowered  }
0x9d: {  	s23 =	simm.s32 $0x1BFF;
	s22 =	sshll.u32 s8, $0x1;
	s5 =	sadd.s32 s6, s20  }
0x9e: {  	s9 =	simm.s32 $0x0;
	s21 =	sshll.u32 s7, $0x1;
	s7 =	sadd.s32 s22, s5  }
0x9f: {  	[timem:s9], [sflag:s23] =	dma.local [hbm:s7], s21  }
0xa0: {  	_ =	swait.ge [sflag:s23], s21  }
0xa1: {  	s6 =	ssub.s32 $0x0, s21;
	[sflag:s23] =	ssyncset.done $0x0  }
0xa2: {  	[sflag:s23] =	ssyncadd.s32 s6;
	_ =	sdelay $0x1  }
0xa3: {  	s24 =	simm.s32 $0x1B8B  }
0xa4: {  	_ =	swait.ge [sflag:s24], $0x1  }
0xa5: {  	[sflag:s24] =	ssyncset.done $0x0  }
0xa6: {  	s25 =	simm.s32 $0x1B8E;
	[sflag:s24] =	ssyncadd.s32 $0xFFFFFFFF  }
0xa7: {  	s26 =	simm.s32 $execute0_lowered;
	[smem:$0x3FD2] =	sst s25  }
0xa8: {  	s6 =	sshll.u32 s26, $0x1;
	_ =	strace $0x80000046;
	[dreg:$0x1] =	wrdreg $0xFFFFFFFF  }
0xa9: {  	s28 =	simm.s32 $_size_execute0_lowered;
	s5 =	sadd.s32 s5, s6;
	[dreg:$0x0] =	wrdreg $0x0  }
0xaa: {  	s6 =	sshll.u32 s28, $0x1;
	[dreg:$0x2] =	wrdreg s5  }
0xab: {  	[dreg:$0x3] =	wrdreg s6  }
0xac: {  	[dreg:$0x4] =	wrdreg $0xC0  }
0xad: {  	_ =	task [dreg:s9], $0x5FFFF  }
0xae: {  	[dreg:$0x1] =	wrdreg $0xFFFFFFFF  }
0xaf: {  	[dreg:$0x0] =	wrdreg $0x60  }
0xb0: {  	[dreg:$0x2] =	wrdreg s2  }
0xb1: {  	[dreg:$0x3] =	wrdreg s19  }
0xb2: {  	[dreg:$0x4] =	wrdreg s4  }
0xb3: {  	[dreg:$0x5] =	wrdreg $0x9  }
0xb4: {  	_ =	task.clear_ibuf [dreg:s9], $0x6FFFF;
	_ =	strace $0x90000046  }
0xb5: {  	s29 =	simm.s32 $0x9;
	_ =	strace $0x80000048  }
0xb6: {  	_ =	swait.ge [sflag:s29], $0x1  }
0xb7: {  	[sflag:s29] =	ssyncadd.s32 $0xFFFFFFFF  }
0xb8: {  	_ =	strace $0x90000048  }
0xb9: {  	_ =	sfence  }
0xba: {  	s30 =	sld [smem:$0x0];
	_ =	sdelay $0x2  }
0xbb: {  	s31 =	sshll.u32 s1, $0xD;
	s1 =	sshrl.u32 s1, $0x2  }
0xbc: {  	s3 =	sand.u32 $0x4000, s31;
	s1 =	sadd.s32 s1, s30  }
0xbd: {  	s0 =	sor.u32 s3, s0;
	s1 =	sshll.u32 s1, $0x11  }
0xbe: {  	s0 =	sor.u32 s1, s0  }
0xbf: {  	s0 =	sadd.s32 $0x8F2B, s0  }
0xc0: {  	[sflag:s0] =	ssyncadd.remote.s32 $0x1  }
0xc1: {  	_ =	sfence.sel $0xFFFF  }
0xc2: {  	[dreg:$0x0] =	wrdreg $0xFFFFFFFF;
	(pc) =	sbr.abs _section_cstart, $3  }
0xc3: {  	[dreg:$0x1] =	wrdreg $0xFFFFFFFF  }
0xc4: {  	_ =	task.clear_ibuf [dreg:s9], $0x2FFFF;
	_ =	strace $0x9FFFFFFF  }
0xc5: {  	(tm) =	ssettm $0x7FFFFFFF  }
tec
execute0_lowered:
.L_overlay_start_1:
0x0: {  	(tag) =	ssettag $0x1  }
0x1: {  	s0 =	rddreg [dreg:$0x0]  }
0x2: {  	s3 =	rddreg [dreg:$0x2];
	s1 =	srdreg.scid  }
0x3: {  	s5 =	simm.s32 $0x0;
	s4 =	stileid.u32;
	s14 =	simm.s32 $0x9  }
0x4: {  	s15 =	simm.s32 $0x200;
	s16 =	simm.s32 $0x400;
	s17 =	simm.s32 $0x800  }
0x5: {  	s18 =	simm.s32 $0x2800;
	s19 =	simm.s32 $0x4800;
	s20 =	simm.s32 $0x6800  }
0x6: {  	s21 =	simm.s32 $0x1;
	s28 =	simm.s32 $0x7;
	s29 =	simm.s32 $0xC800  }
0x7: {  	s30 =	simm.s32 $0x4;
	s31 =	simm.s32 $0x8;
	s1 =	sand.u32 $0x1, s1  }
0x8: {  	s4 =	sshll.u32 s4, $0x11;
	[smem:$0x7FF] =	sst s5;
	s10 =	sadd.s32 $0x1000, s0  }
0x9: {  	s11 =	sadd.s32 $0x40, s3;
	s2 =	ssub.s32 $0x2, s1;
	s1 =	sshll.u32 s1, $0x10  }
0xa: {  	s12 =	sadd.s32 $0x1040, s0;
	_ =	strace $0x80000047;
	s5 =	sor.u32 s1, s4  }
0xb: {  	s6 =	sshrl.u32 s2, $0x1;
	s1 =	simm.s32 $0x0;
	s23 =	sadd.s32 s0, s5  }
0xc: {  	s22 =	ssub.s32 s2, s6;
	s24 =	sadd.s32 $0x40, s23;
	[dreg:$0x4] =	wrdreg s23  }
.Ltmp0:
0xd: {  	s25 =	sadd.s32 $0x800, s23;
	[dreg:$0x5] =	wrdreg s24;
	(pc) =	sbr.rel .LBB2_1-.Ltmp0, $4  }
0xe: {  	s0 =	simm.s32 $0xE800;
	s2 =	sadd.s32 $0x840, s23;
	[dreg:$0x6] =	wrdreg s25  }
0xf: {  	s26 =	smax.u32 s22, $0x1;
	s22 =	simm.s32 $0x8800;
	[dreg:$0x7] =	wrdreg s2  }
0x10: {  	s23 =	simm.s32 $0x2;
	[dreg:$0x8] =	wrdreg s26;
	s24 =	simm.s32 $0x6  }
0x11: {  	s25 =	simm.s32 $0xA800;
	s26 =	simm.s32 $0x3;
	s2 =	simm.s32 $0x5  }
.LBB2_24:
0x12: {  	_ =	swait.ge [sflag:s2], $0x2000  }
0x13: {  	[sflag:s2] =	ssyncset.done $0x0  }
0x14: {  	[sflag:s2] =	ssyncadd.s32 $0xFFFFE000  }
0x15: {  	_ =	swait.ge [sflag:s24], $0x2000  }
0x16: {  	[sflag:s24] =	ssyncset.done $0x0  }
0x17: {  	[sflag:s24] =	ssyncadd.s32 $0xFFFFE000  }
0x18: {  	_ =	swait.ge [sflag:s28], $0x2000  }
0x19: {  	[sflag:s28] =	ssyncset.done $0x0  }
0x1a: {  	[sflag:s28] =	ssyncadd.s32 $0xFFFFE000  }
0x1b: {  	_ =	swait.ge [sflag:s31], $0x2000  }
0x1c: {  	s1 =	sadd.s32 $0x1, s1;
	s4 =	rddreg [dreg:$0x8]  }
0x1d: {  	p0 =	sne.s32 s1, s4  }
.Ltmp1:
0x1e: {  	_ = 	snop;
	(pc) =	sbr.rel @!p0 .LBB2_25-.Ltmp1, $3  }
0x1f: {  	_ =	sdelay $0x1  }
0x20: {  	[sflag:s31] =	ssyncset.done $0x0  }
0x21: {  	[sflag:s31] =	ssyncadd.s32 $0xFFFFE000  }
.LBB2_1:
0x22: {  	s4 =	rddreg [dreg:$0x1];
	s6 =	simm.s32 $0x0  }
0x23: {  	[tilespmem:s6], [sflag:$0x9] =	stream.linear.gather [hbm4b:s4+s6], $0x800, $0x38;
	[tilespmem:$0x10800] =	vst v63  }
0x24: {  	_ =	swait.ge [sflag:s14], $0x800  }
0x25: {  	[sflag:s14] =	ssyncset.done $0x0  }
0x26: {  	s7 =	rddreg [dreg:$0x4];
	[sflag:s14] =	ssyncadd.s32 $0xFFFFF800  }
0x27: {  	[tilespmem:s17], [sflag:$0x1] =	stream.strided.gather [hbm4b:s7+s15], $0x2000, s16, s15, $0x38;
	[tilespmem:$0x10800] =	vst v63  }
0x28: {  	s8 =	rddreg [dreg:$0x5]  }
0x29: {  	[tilespmem:s18], [sflag:$0x2] =	stream.strided.gather [hbm4b:s8+s15], $0x2000, s16, s15, $0x38;
	[tilespmem:$0x10800] =	vst v63  }
0x2a: {  	s9 =	rddreg [dreg:$0x6]  }
0x2b: {  	[tilespmem:s19], [sflag:$0x3] =	stream.strided.gather [hbm4b:s9+s15], $0x2000, s16, s15, $0x38;
	[tilespmem:$0x10800] =	vst v63  }
0x2c: {  	s4 =	simm.s32 $0x0;
	s13 =	rddreg [dreg:$0x7]  }
0x2d: {  	[tilespmem:s20], [sflag:$0x4] =	stream.strided.gather [hbm4b:s13+s15], $0x2000, s16, s15, $0x38;
	[tilespmem:$0x10800] =	vst v63  }
.LBB2_2:
0x2e: {  	_ =	swait.ge [sflag:s21], $0x2000  }
0x2f: {  	p0 =	seq.s32 s4, $0x0;
	[sflag:s21] =	ssyncset.done $0x0  }
0x30: {  	s6 =	simm.s32 @!p0 $0x5;
	[sflag:s21] =	ssyncadd.s32 $0xFFFFE000  }
0x31: {  	_ =	swait.ge @!p0 [sflag:s6], $0x2000  }
0x32: {  	[sflag:s6] =	ssyncset.done @!p0 $0x0  }
0x33: {  	s13 =	simm.s32 $0x40;
	[sflag:s6] =	ssyncadd.s32 @!p0 $0xFFFFE000  }
0x34: {  	v0 =	vld [tilespmem:s13+$0xFFFFFFC0]  }
0x35: {  	v1 =	vld [tilespmem:s13+$0x10]  }
0x36: {  	v3 =	vld [tilespmem:s13+$0xFFFFFFE0]  }
0x37: {  	v2 =	vld [tilespmem:s13+$0x0];
	_ =	sdelay $0x1  }
0x38: {  	v6 =	vld [tilespmem:s13+$0x20]  }
0x39: {  	v7 =	vld [tilespmem:s13+$0xFFFFFFF0];
	v4 =	vshll.u32 v0, $0x2;
	v0 =	vand.u32 $0x7F, v0;
	v5 =	vshll.u32 v1, $0x2  }
0x3a: {  	v1 =	vand.u32 $0x7F, v1;
	v9 =	vshll.u32 v3, $0x2;
	v4 =	vand.u32 $0xFFFFFE00, v4  }
0x3b: {  	v8 =	vld [tilespmem:s13+$0xFFFFFFD0];
	v3 =	vand.u32 $0x7F, v3;
	v4 =	vor.u32 v0, v4;
	v0 =	vshll.u32 v2, $0x2  }
0x3c: {  	v5 =	vand.u32 $0xFFFFFE00, v5;
	v2 =	vand.u32 $0x7F, v2;
	v0 =	vand.u32 $0xFFFFFE00, v0  }
0x3d: {  	v5 =	vor.u32 v1, v5;
	v0 =	vor.u32 v2, v0;
	v2 =	vand.u32 $0xFFFFFE00, v9;
	v9 =	vld [tilespmem:s13+$0x30]  }
0x3e: {  	v11 =	vand.u32 $0x7F, v7;
	v2 =	vor.u32 v3, v2;
	v3 =	vshll.u32 v6, $0x2  }
0x3f: {  	v1 =	vand.u32 $0x7F, v6;
	v12 =	vor.u32 $0x80, v4;
	v3 =	vand.u32 $0xFFFFFE00, v3  }
0x40: {  	v6 =	vshll.u32 v7, $0x2;
	v10 =	vld.idx.msk [tilespmem:v4+s17+$0x0], $0xffff;
	v1 =	vor.u32 v1, v3;
	v3 =	vshll.u32 v8, $0x2  }
0x41: {  	v6 =	vand.u32 $0xFFFFFE00, v6;
	v8 =	vand.u32 $0x7F, v8;
	v3 =	vand.u32 $0xFFFFFE00, v3  }
0x42: {  	v6 =	vor.u32 v11, v6;
	v17 =	vld.idx.msk [tilespmem:v5+s17+$0x0], $0xffff;
	v7 =	vor.u32 v8, v3;
	v3 =	vshll.u32 v9, $0x2  }
0x43: {  	v13 =	vld.idx.msk [tilespmem:v0+s17+$0x0], $0xffff;
	v8 =	vand.u32 $0x7F, v9;
	v3 =	vand.u32 $0xFFFFFE00, v3  }
0x44: {  	s8 =	simm.s32 $0x8900;
	v11 =	vld.idx.msk [tilespmem:v2+s17+$0x0], $0xffff;
	v3 =	vor.u32 v8, v3  }
0x45: {  	v20 =	vor.u32 $0x80, v0;
	[tilespmem:s8+$0xFFFFFF00] =	vst v10;
	v10 =	vld.idx.msk [tilespmem:v1+s17+$0x0], $0xffff  }
0x46: {  	v18 =	vld.idx.msk [tilespmem:v12+s17+$0x0], $0xffff;
	v12 =	vor.u32 $0x80, v5  }
0x47: {  	v15 =	vor.u32 $0x80, v2;
	v16 =	vld.idx.msk [tilespmem:v6+s17+$0x0], $0xffff  }
0x48: {  	s7 =	simm.s32 $0x0;
	s9 =	simm.s32 $0xC0;
	s13 =	simm.s32 $0x8900;
	v9 =	vor.u32 $0x80, v1;
	v14 =	vor.u32 $0x80, v7;
	v8 =	vor.u32 $0x80, v3;
	v19 =	vld.idx.msk [tilespmem:v7+s17+$0x0], $0xffff  }
.LBB2_3:
0x49: {  	s7 =	sadd.s32 $0x8, s7;
	[tilespmem:s8+$0xFFFFFF40] =	vst v13;
	v13 =	vld.idx.msk [tilespmem:v3+s17+$0x0], $0xffff;
	s13 =	sadd.s32 $0x200, s13  }
0x4a: {  	p1 =	slt.u32 s7, $0x78;
	v20 =	vld.idx.msk [tilespmem:v20+s17+$0x0], $0xffff;
	[tilespmem:s8+$0xFFFFFF50] =	vst v17  }
0x4b: {  	v17 =	vor.u32 $0x100, v4;
	v12 =	vld.idx.msk [tilespmem:v12+s17+$0x0], $0xffff  }
0x4c: {  	v21 =	vld [tilespmem:s9+$0x10];
	[tilespmem:s8+$0xFFFFFF80] =	vst v18  }
0x4d: {  	v18 =	vld [tilespmem:s9+$0xFFFFFFE0];
	[tilespmem:s8+$0xFFFFFF10] =	vst v19;
	v19 =	vor.u32 $0x80, v6  }
0x4e: {  	v14 =	vld.idx.msk [tilespmem:v14+s17+$0x0], $0xffff;
	[tilespmem:s8+$0xFFFFFF20] =	vst v11  }
0x4f: {  	v11 =	vld.idx.msk [tilespmem:v15+s17+$0x0], $0xffff;
	[tilespmem:s8+$0xFFFFFF70] =	vst v13  }
0x50: {  	v13 =	vld.idx.msk [tilespmem:v17+s17+$0x0], $0xffff;
	[tilespmem:s8+$0xFFFFFFC0] =	vst v20  }
0x51: {  	v15 =	vld [tilespmem:s9+$0xFFFFFFF0];
	[tilespmem:s8+$0xFFFFFF30] =	vst v16  }
0x52: {  	v16 =	vld.idx.msk [tilespmem:v19+s17+$0x0], $0xffff;
	[tilespmem:s8+$0xFFFFFFD0] =	vst v12  }
0x53: {  	v12 =	vld [tilespmem:s9+$0xFFFFFFC0];
	[tilespmem:s8+$0xFFFFFF60] =	vst v10  }
0x54: {  	[tilespmem:s8+$0xFFFFFF90] =	vst v14;
	v8 =	vld.idx.msk [tilespmem:v8+s17+$0x0], $0xffff  }
0x55: {  	v10 =	vld [tilespmem:s9+$0x20];
	[tilespmem:s8+$0xFFFFFFA0] =	vst v11;
	v11 =	vor.u32 $0x100, v5  }
0x56: {  	v14 =	vld [tilespmem:s9+$0x30];
	[tilespmem:s8+$0x0] =	vst v13;
	v13 =	vor.u32 $0x100, v7  }
0x57: {  	v19 =	vor.u32 $0x100, v6;
	v17 =	vld [tilespmem:s9+$0xFFFFFFD0]  }
0x58: {  	v20 =	vor.u32 $0x180, v4;
	[tilespmem:s8+$0xFFFFFFB0] =	vst v16;
	v9 =	vld.idx.msk [tilespmem:v9+s17+$0x0], $0xffff  }
0x59: {  	v22 =	vor.u32 $0x100, v2;
	v23 =	vor.u32 $0x180, v5;
	v5 =	vor.u32 $0x100, v1;
	v16 =	vld [tilespmem:s9+$0x0]  }
0x5a: {  	v24 =	vor.u32 $0x100, v0;
	v4 =	vshll.u32 v12, $0x2;
	v11 =	vld.idx.msk [tilespmem:v11+s17+$0x0], $0xffff;
	[tilespmem:s8+$0xFFFFFFF0] =	vst v8;
	v8 =	vor.u32 $0x100, v3  }
0x5b: {  	v4 =	vand.u32 $0xFFFFFE00, v4;
	v25 =	vand.u32 $0x7F, v14;
	v14 =	vshll.u32 v14, $0x2;
	v13 =	vld.idx.msk [tilespmem:v13+s17+$0x0], $0xffff  }
0x5c: {  	v6 =	vor.u32 $0x180, v6;
	v12 =	vand.u32 $0x7F, v12;
	v14 =	vand.u32 $0xFFFFFE00, v14;
	v19 =	vld.idx.msk [tilespmem:v19+s17+$0x0], $0xffff  }
0x5d: {  	v7 =	vor.u32 $0x180, v7;
	v4 =	vor.u32 v12, v4;
	v12 =	vshll.u32 v21, $0x2;
	v20 =	vld.idx.msk [tilespmem:v20+s17+$0x0], $0xffff  }
0x5e: {  	v26 =	vshll.u32 v15, $0x2;
	v14 =	vor.u32 v25, v14;
	v27 =	vshll.u32 v16, $0x2;
	v22 =	vld.idx.msk [tilespmem:v22+s17+$0x0], $0xffff;
	[tilespmem:s8+$0xFFFFFFE0] =	vst v9  }
0x5f: {  	v21 =	vand.u32 $0x7F, v21;
	v9 =	vand.u32 $0xFFFFFE00, v26;
	v16 =	vand.u32 $0x7F, v16;
	v25 =	vld.idx.msk [tilespmem:v5+s17+$0x0], $0xffff  }
0x60: {  	v12 =	vand.u32 $0xFFFFFE00, v12;
	v26 =	vor.u32 $0x180, v2;
	v5 =	vand.u32 $0xFFFFFE00, v27;
	[tilespmem:s8+$0x50] =	vst v11;
	v8 =	vld.idx.msk [tilespmem:v8+s17+$0x0], $0xffff  }
0x61: {  	v2 =	vshll.u32 v18, $0x2;
	v11 =	vor.u32 v16, v5;
	v5 =	vor.u32 v21, v12;
	[tilespmem:s8+$0x10] =	vst v13;
	v12 =	vld.idx.msk [tilespmem:v24+s17+$0x0], $0xffff  }
0x62: {  	v2 =	vand.u32 $0xFFFFFE00, v2;
	v13 =	vor.u32 $0x180, v3;
	v3 =	vmov v14;
	v7 =	vld.idx.msk [tilespmem:v7+s17+$0x0], $0xffff;
	[tilespmem:s8+$0x30] =	vst v19  }
0x63: {  	v14 =	vand.u32 $0x7F, v18;
	v18 =	vor.u32 $0x180, v0;
	v0 =	vmovc v11;
	v19 =	vor.u32 $0x180, v1;
	[tilespmem:s8+$0x80] =	vst v20;
	v16 =	vld.idx.msk [tilespmem:v6+s17+$0x0], $0xffff  }
0x64: {  	v21 =	vor.u32 $0x80, v4;
	v2 =	vor.u32 v14, v2;
	v1 =	vand.u32 $0x7F, v15;
	[tilespmem:s8+$0x20] =	vst v22;
	v11 =	vld.idx.msk [tilespmem:v23+s17+$0x0], $0xffff  }
0x65: {  	v6 =	vor.u32 v1, v9;
	v1 =	vshll.u32 v10, $0x2;
	v9 =	vld.idx.msk [tilespmem:v26+s17+$0x0], $0xffff;
	[tilespmem:s8+$0x60] =	vst v25  }
0x66: {  	v10 =	vand.u32 $0x7F, v10;
	v1 =	vand.u32 $0xFFFFFE00, v1;
	v15 =	vld.idx.msk [tilespmem:v4+s17+$0x0], $0xffff;
	[tilespmem:s8+$0x70] =	vst v8  }
0x67: {  	v1 =	vor.u32 v10, v1;
	[tilespmem:s8+$0x40] =	vst v12;
	v22 =	vld.idx.msk [tilespmem:v13+s17+$0x0], $0xffff  }
0x68: {  	v8 =	vshll.u32 v17, $0x2;
	v12 =	vor.u32 $0x80, v5;
	v13 =	vld.idx.msk [tilespmem:v0+s17+$0x0], $0xffff;
	[tilespmem:s8+$0x90] =	vst v7  }
0x69: {  	v10 =	vand.u32 $0xFFFFFE00, v8;
	v8 =	vor.u32 $0x80, v3;
	v7 =	vand.u32 $0x7F, v17;
	[tilespmem:s8+$0xB0] =	vst v16;
	v16 =	vld.idx.msk [tilespmem:v18+s17+$0x0], $0xffff  }
0x6a: {  	v7 =	vor.u32 v7, v10;
	[tilespmem:s8+$0xD0] =	vst v11;
	v23 =	vld.idx.msk [tilespmem:v19+s17+$0x0], $0xffff  }
0x6b: {  	v14 =	vor.u32 $0x80, v7;
	v11 =	vld.idx.msk [tilespmem:v2+s17+$0x0], $0xffff  }
.Ltmp2:
0x6c: {  	[tilespmem:s13+$0xFFFFFF00] =	vst v15;
	v15 =	vor.u32 $0x80, v2;
	v17 =	vld.idx.msk [tilespmem:v5+s17+$0x0], $0xffff;
	(pc) =	sbr.rel @p1 .LBB2_3-.Ltmp2, $4  }
0x6d: {  	v20 =	vor.u32 $0x80, v0;
	v10 =	vld.idx.msk [tilespmem:v1+s17+$0x0], $0xffff;
	[tilespmem:s8+$0xF0] =	vst v22  }
0x6e: {  	v18 =	vld.idx.msk [tilespmem:v21+s17+$0x0], $0xffff;
	[tilespmem:s8+$0xA0] =	vst v9  }
0x6f: {  	v19 =	vld.idx.msk [tilespmem:v7+s17+$0x0], $0xffff;
	[tilespmem:s8+$0xC0] =	vst v16  }
0x70: {  	s9 =	sadd.s32 $0x80, s9;
	v9 =	vor.u32 $0x80, v1;
	v16 =	vld.idx.msk [tilespmem:v6+s17+$0x0], $0xffff;
	[tilespmem:s8+$0xE0] =	vst v23;
	s8 =	smov.u32 s13  }
0x71: {  	_ =	sdelay $0x1  }
0x72: {  	[tilespmem:s8+$0xFFFFFF40] =	vst v13  }
0x73: {  	[tilespmem:s8+$0xFFFFFF50] =	vst v17  }
0x74: {  	v34 =	vld.idx.msk [tilespmem:v3+s17+$0x0], $0xffff;
	[tilespmem:s8+$0xFFFFFF20] =	vst v11  }
0x75: {  	v36 =	vor.u32 $0x80, v6;
	v35 =	vld.idx.msk [tilespmem:v20+s17+$0x0], $0xffff;
	[tilespmem:s8+$0xFFFFFF60] =	vst v10  }
0x76: {  	v37 =	vor.u32 $0x100, v4;
	v12 =	vld.idx.msk [tilespmem:v12+s17+$0x0], $0xffff;
	[tilespmem:s8+$0xFFFFFF80] =	vst v18  }
0x77: {  	v39 =	vld.idx.msk [tilespmem:v15+s17+$0x0], $0xffff;
	[tilespmem:s8+$0xFFFFFF10] =	vst v19  }
0x78: {  	v40 =	vor.u32 $0x100, v5;
	v9 =	vld.idx.msk [tilespmem:v9+s17+$0x0], $0xffff;
	[tilespmem:s8+$0xFFFFFF30] =	vst v16  }
0x79: {  	v46 =	vor.u32 $0x100, v2;
	v38 =	vld.idx.msk [tilespmem:v14+s17+$0x0], $0xffff;
	[tilespmem:s8+$0xFFFFFF70] =	vst v34  }
0x7a: {  	v51 =	vor.u32 $0x100, v0;
	v41 =	vld.idx.msk [tilespmem:v36+s17+$0x0], $0xffff;
	[tilespmem:s8+$0xFFFFFFC0] =	vst v35  }
0x7b: {  	v49 =	vor.u32 $0x100, v1;
	v43 =	vld.idx.msk [tilespmem:v37+s17+$0x0], $0xffff;
	[tilespmem:s8+$0xFFFFFFD0] =	vst v12  }
0x7c: {  	v42 =	vor.u32 $0x100, v7;
	v8 =	vld.idx.msk [tilespmem:v8+s17+$0x0], $0xffff;
	[tilespmem:s8+$0xFFFFFFA0] =	vst v39  }
0x7d: {  	v44 =	vor.u32 $0x100, v6;
	v47 =	vld.idx.msk [tilespmem:v40+s17+$0x0], $0xffff;
	[tilespmem:s8+$0xFFFFFFE0] =	vst v9  }
0x7e: {  	v45 =	vor.u32 $0x180, v4;
	v54 =	vld.idx.msk [tilespmem:v46+s17+$0x0], $0xffff;
	[tilespmem:s8+$0xFFFFFF90] =	vst v38  }
0x7f: {  	v48 =	vor.u32 $0x100, v3;
	v60 =	vld.idx.msk [tilespmem:v51+s17+$0x0], $0xffff;
	[tilespmem:s8+$0xFFFFFFB0] =	vst v41  }
0x80: {  	v55 =	vor.u32 $0x180, v5;
	v57 =	vld.idx.msk [tilespmem:v49+s17+$0x0], $0xffff;
	[tilespmem:s8+$0x0] =	vst v43  }
0x81: {  	v59 =	vor.u32 $0x180, v2;
	v50 =	vld.idx.msk [tilespmem:v42+s17+$0x0], $0xffff;
	[tilespmem:s8+$0xFFFFFFF0] =	vst v8  }
0x82: {  	v61 =	vor.u32 $0x180, v0;
	v12 =	vld.idx.msk [tilespmem:v44+s17+$0x0], $0xffff;
	[tilespmem:s8+$0x50] =	vst v47  }
0x83: {  	v63 =	vor.u32 $0x180, v1;
	v4 =	vld.idx.msk [tilespmem:v45+s17+$0x0], $0xffff;
	[tilespmem:s8+$0x20] =	vst v54  }
0x84: {  	v52 =	vor.u32 $0x180, v7;
	v56 =	vld.idx.msk [tilespmem:v48+s17+$0x0], $0xffff;
	[tilespmem:s8+$0x40] =	vst v60  }
0x85: {  	v53 =	vor.u32 $0x180, v6;
	v5 =	vld.idx.msk [tilespmem:v55+s17+$0x0], $0xffff;
	[tilespmem:s8+$0x60] =	vst v57  }
0x86: {  	v58 =	vor.u32 $0x180, v3;
	v2 =	vld.idx.msk [tilespmem:v59+s17+$0x0], $0xffff;
	[tilespmem:s8+$0x10] =	vst v50  }
0x87: {  	v0 =	vld.idx.msk [tilespmem:v61+s17+$0x0], $0xffff;
	[tilespmem:s8+$0x30] =	vst v12  }
0x88: {  	v1 =	vld.idx.msk [tilespmem:v63+s17+$0x0], $0xffff;
	[tilespmem:s8+$0x80] =	vst v4  }
0x89: {  	v7 =	vld.idx.msk [tilespmem:v52+s17+$0x0], $0xffff;
	[tilespmem:s8+$0x70] =	vst v56  }
0x8a: {  	v62 =	vld.idx.msk [tilespmem:v53+s17+$0x0], $0xffff;
	[tilespmem:s8+$0xD0] =	vst v5  }
0x8b: {  	v3 =	vld.idx.msk [tilespmem:v58+s17+$0x0], $0xffff;
	[tilespmem:s8+$0xA0] =	vst v2  }
0x8c: {  	p1 =	sne.s32 s4, $0xF;
	[tilespmem:s8+$0xC0] =	vst v0  }
.Ltmp3:
0x8d: {  	[tilespmem:s8+$0xE0] =	vst v1;
	(pc) =	sbr.rel @p1 .LBB2_6-.Ltmp3, $4  }
0x8e: {  	s6 =	sshll.u32 s4, $0xC;
	[tilespmem:s8+$0x90] =	vst v7  }
0x8f: {  	s7 =	sor.u32 s5, s6;
	[tilespmem:s8+$0xB0] =	vst v62  }
0x90: {  	s6 =	sadd.s32 s3, s7;
	[tilespmem:s8+$0xF0] =	vst v3  }
0x91: {  	[hbm4b:s6+s15] =	stream.strided.scatter [tilespmem:s22], [sflag:$0x5], $0x2000, s16, s15, $0x38;
	[tilespmem:$0x10800] =	vst v63  }
.Ltmp4:
0x92: {  	(pc) =	sbr.rel .LBB2_7-.Ltmp4, $4  }
0x93: {  	_ = 	snop  }
0x94: {  	_ =	swait.ge [sflag:s23], $0x2000  }
0x95: {  	[sflag:s23] =	ssyncset.done $0x0  }
0x96: {  	[sflag:s23] =	ssyncadd.s32 $0xFFFFE000  }
.LBB2_6:
.Ltmp5:
0x97: {  	s6 =	sadd.s32 s7, s10;
	(pc) =	sbr.rel @p0 .LBB2_8-.Ltmp5, $4  }
0x98: {  	[tilespmem:s17], [sflag:$0x1] =	stream.strided.gather [hbm4b:s6+s15], $0x2000, s16, s15, $0x38;
	[tilespmem:$0x10800] =	vst v63  }
0x99: {  	_ =	swait.ge [sflag:s23], $0x2000  }
0x9a: {  	[sflag:s23] =	ssyncset.done $0x0  }
0x9b: {  	[sflag:s23] =	ssyncadd.s32 $0xFFFFE000  }
.LBB2_7:
0x9c: {  	_ =	swait.ge [sflag:s24], $0x2000  }
0x9d: {  	[sflag:s24] =	ssyncset.done $0x0  }
0x9e: {  	[sflag:s24] =	ssyncadd.s32 $0xFFFFE000  }
.LBB2_8:
0x9f: {  	s6 =	simm.s32 $0x40  }
0xa0: {  	v0 =	vld [tilespmem:s6+$0xFFFFFFC0]  }
0xa1: {  	v1 =	vld [tilespmem:s6+$0x10]  }
0xa2: {  	v3 =	vld [tilespmem:s6+$0xFFFFFFE0]  }
0xa3: {  	v2 =	vld [tilespmem:s6+$0x0];
	_ =	sdelay $0x1  }
0xa4: {  	v6 =	vld [tilespmem:s6+$0x20]  }
0xa5: {  	v7 =	vld [tilespmem:s6+$0xFFFFFFF0];
	v4 =	vshll.u32 v0, $0x2;
	v0 =	vand.u32 $0x7F, v0;
	v5 =	vshll.u32 v1, $0x2  }
0xa6: {  	v1 =	vand.u32 $0x7F, v1;
	v9 =	vshll.u32 v3, $0x2;
	v4 =	vand.u32 $0xFFFFFE00, v4  }
0xa7: {  	v8 =	vld [tilespmem:s6+$0xFFFFFFD0];
	v3 =	vand.u32 $0x7F, v3;
	v4 =	vor.u32 v0, v4;
	v0 =	vshll.u32 v2, $0x2  }
0xa8: {  	v5 =	vand.u32 $0xFFFFFE00, v5;
	v2 =	vand.u32 $0x7F, v2;
	v0 =	vand.u32 $0xFFFFFE00, v0  }
0xa9: {  	v5 =	vor.u32 v1, v5;
	v0 =	vor.u32 v2, v0;
	v2 =	vand.u32 $0xFFFFFE00, v9;
	v9 =	vld [tilespmem:s6+$0x30]  }
0xaa: {  	v11 =	vand.u32 $0x7F, v7;
	v2 =	vor.u32 v3, v2;
	v3 =	vshll.u32 v6, $0x2  }
0xab: {  	v1 =	vand.u32 $0x7F, v6;
	v12 =	vor.u32 $0x80, v4;
	v3 =	vand.u32 $0xFFFFFE00, v3  }
0xac: {  	v6 =	vshll.u32 v7, $0x2;
	v10 =	vld.idx.msk [tilespmem:v4+s18+$0x0], $0xffff;
	v1 =	vor.u32 v1, v3;
	v3 =	vshll.u32 v8, $0x2  }
0xad: {  	v6 =	vand.u32 $0xFFFFFE00, v6;
	v8 =	vand.u32 $0x7F, v8;
	v3 =	vand.u32 $0xFFFFFE00, v3  }
0xae: {  	v6 =	vor.u32 v11, v6;
	v17 =	vld.idx.msk [tilespmem:v5+s18+$0x0], $0xffff;
	v7 =	vor.u32 v8, v3;
	v3 =	vshll.u32 v9, $0x2  }
0xaf: {  	v13 =	vld.idx.msk [tilespmem:v0+s18+$0x0], $0xffff;
	v8 =	vand.u32 $0x7F, v9;
	v3 =	vand.u32 $0xFFFFFE00, v3  }
0xb0: {  	s8 =	simm.s32 $0xA900;
	v11 =	vld.idx.msk [tilespmem:v2+s18+$0x0], $0xffff;
	v3 =	vor.u32 v8, v3  }
0xb1: {  	v20 =	vor.u32 $0x80, v0;
	[tilespmem:s8+$0xFFFFFF00] =	vst v10;
	v10 =	vld.idx.msk [tilespmem:v1+s18+$0x0], $0xffff  }
0xb2: {  	v18 =	vld.idx.msk [tilespmem:v12+s18+$0x0], $0xffff;
	v12 =	vor.u32 $0x80, v5  }
0xb3: {  	v15 =	vor.u32 $0x80, v2;
	v16 =	vld.idx.msk [tilespmem:v6+s18+$0x0], $0xffff  }
0xb4: {  	s9 =	simm.s32 $0x0;
	s13 =	simm.s32 $0xC0;
	s6 =	simm.s32 $0xA900;
	v9 =	vor.u32 $0x80, v1;
	v14 =	vor.u32 $0x80, v7;
	v8 =	vor.u32 $0x80, v3;
	v19 =	vld.idx.msk [tilespmem:v7+s18+$0x0], $0xffff  }
.LBB2_9:
0xb5: {  	s9 =	sadd.s32 $0x8, s9;
	[tilespmem:s8+$0xFFFFFF40] =	vst v13;
	v13 =	vld.idx.msk [tilespmem:v3+s18+$0x0], $0xffff;
	s6 =	sadd.s32 $0x200, s6  }
0xb6: {  	p2 =	slt.u32 s9, $0x78;
	v20 =	vld.idx.msk [tilespmem:v20+s18+$0x0], $0xffff;
	[tilespmem:s8+$0xFFFFFF50] =	vst v17  }
0xb7: {  	v17 =	vor.u32 $0x100, v4;
	v12 =	vld.idx.msk [tilespmem:v12+s18+$0x0], $0xffff  }
0xb8: {  	v21 =	vld [tilespmem:s13+$0x10];
	[tilespmem:s8+$0xFFFFFF80] =	vst v18  }
0xb9: {  	v18 =	vld [tilespmem:s13+$0xFFFFFFE0];
	[tilespmem:s8+$0xFFFFFF10] =	vst v19;
	v19 =	vor.u32 $0x80, v6  }
0xba: {  	v14 =	vld.idx.msk [tilespmem:v14+s18+$0x0], $0xffff;
	[tilespmem:s8+$0xFFFFFF20] =	vst v11  }
0xbb: {  	v11 =	vld.idx.msk [tilespmem:v15+s18+$0x0], $0xffff;
	[tilespmem:s8+$0xFFFFFF70] =	vst v13  }
0xbc: {  	v13 =	vld.idx.msk [tilespmem:v17+s18+$0x0], $0xffff;
	[tilespmem:s8+$0xFFFFFFC0] =	vst v20  }
0xbd: {  	v15 =	vld [tilespmem:s13+$0xFFFFFFF0];
	[tilespmem:s8+$0xFFFFFF30] =	vst v16  }
0xbe: {  	v16 =	vld.idx.msk [tilespmem:v19+s18+$0x0], $0xffff;
	[tilespmem:s8+$0xFFFFFFD0] =	vst v12  }
0xbf: {  	v12 =	vld [tilespmem:s13+$0xFFFFFFC0];
	[tilespmem:s8+$0xFFFFFF60] =	vst v10  }
0xc0: {  	[tilespmem:s8+$0xFFFFFF90] =	vst v14;
	v8 =	vld.idx.msk [tilespmem:v8+s18+$0x0], $0xffff  }
0xc1: {  	v10 =	vld [tilespmem:s13+$0x20];
	[tilespmem:s8+$0xFFFFFFA0] =	vst v11;
	v11 =	vor.u32 $0x100, v5  }
0xc2: {  	v14 =	vld [tilespmem:s13+$0x30];
	[tilespmem:s8+$0x0] =	vst v13;
	v13 =	vor.u32 $0x100, v7  }
0xc3: {  	v19 =	vor.u32 $0x100, v6;
	v17 =	vld [tilespmem:s13+$0xFFFFFFD0]  }
0xc4: {  	v20 =	vor.u32 $0x180, v4;
	[tilespmem:s8+$0xFFFFFFB0] =	vst v16;
	v9 =	vld.idx.msk [tilespmem:v9+s18+$0x0], $0xffff  }
0xc5: {  	v22 =	vor.u32 $0x100, v2;
	v23 =	vor.u32 $0x180, v5;
	v5 =	vor.u32 $0x100, v1;
	v16 =	vld [tilespmem:s13+$0x0]  }
0xc6: {  	v24 =	vor.u32 $0x100, v0;
	v4 =	vshll.u32 v12, $0x2;
	v11 =	vld.idx.msk [tilespmem:v11+s18+$0x0], $0xffff;
	[tilespmem:s8+$0xFFFFFFF0] =	vst v8;
	v8 =	vor.u32 $0x100, v3  }
0xc7: {  	v4 =	vand.u32 $0xFFFFFE00, v4;
	v25 =	vand.u32 $0x7F, v14;
	v14 =	vshll.u32 v14, $0x2;
	v13 =	vld.idx.msk [tilespmem:v13+s18+$0x0], $0xffff  }
0xc8: {  	v6 =	vor.u32 $0x180, v6;
	v12 =	vand.u32 $0x7F, v12;
	v14 =	vand.u32 $0xFFFFFE00, v14;
	v19 =	vld.idx.msk [tilespmem:v19+s18+$0x0], $0xffff  }
0xc9: {  	v7 =	vor.u32 $0x180, v7;
	v4 =	vor.u32 v12, v4;
	v12 =	vshll.u32 v21, $0x2;
	v20 =	vld.idx.msk [tilespmem:v20+s18+$0x0], $0xffff  }
0xca: {  	v26 =	vshll.u32 v15, $0x2;
	v14 =	vor.u32 v25, v14;
	v27 =	vshll.u32 v16, $0x2;
	v22 =	vld.idx.msk [tilespmem:v22+s18+$0x0], $0xffff;
	[tilespmem:s8+$0xFFFFFFE0] =	vst v9  }
0xcb: {  	v21 =	vand.u32 $0x7F, v21;
	v9 =	vand.u32 $0xFFFFFE00, v26;
	v16 =	vand.u32 $0x7F, v16;
	v25 =	vld.idx.msk [tilespmem:v5+s18+$0x0], $0xffff  }
0xcc: {  	v12 =	vand.u32 $0xFFFFFE00, v12;
	v26 =	vor.u32 $0x180, v2;
	v5 =	vand.u32 $0xFFFFFE00, v27;
	[tilespmem:s8+$0x50] =	vst v11;
	v8 =	vld.idx.msk [tilespmem:v8+s18+$0x0], $0xffff  }
0xcd: {  	v2 =	vshll.u32 v18, $0x2;
	v11 =	vor.u32 v16, v5;
	v5 =	vor.u32 v21, v12;
	[tilespmem:s8+$0x10] =	vst v13;
	v12 =	vld.idx.msk [tilespmem:v24+s18+$0x0], $0xffff  }
0xce: {  	v2 =	vand.u32 $0xFFFFFE00, v2;
	v13 =	vor.u32 $0x180, v3;
	v3 =	vmov v14;
	v7 =	vld.idx.msk [tilespmem:v7+s18+$0x0], $0xffff;
	[tilespmem:s8+$0x30] =	vst v19  }
0xcf: {  	v14 =	vand.u32 $0x7F, v18;
	v18 =	vor.u32 $0x180, v0;
	v0 =	vmovc v11;
	v19 =	vor.u32 $0x180, v1;
	[tilespmem:s8+$0x80] =	vst v20;
	v16 =	vld.idx.msk [tilespmem:v6+s18+$0x0], $0xffff  }
0xd0: {  	v21 =	vor.u32 $0x80, v4;
	v2 =	vor.u32 v14, v2;
	v1 =	vand.u32 $0x7F, v15;
	[tilespmem:s8+$0x20] =	vst v22;
	v11 =	vld.idx.msk [tilespmem:v23+s18+$0x0], $0xffff  }
0xd1: {  	v6 =	vor.u32 v1, v9;
	v1 =	vshll.u32 v10, $0x2;
	v9 =	vld.idx.msk [tilespmem:v26+s18+$0x0], $0xffff;
	[tilespmem:s8+$0x60] =	vst v25  }
0xd2: {  	v10 =	vand.u32 $0x7F, v10;
	v1 =	vand.u32 $0xFFFFFE00, v1;
	v15 =	vld.idx.msk [tilespmem:v4+s18+$0x0], $0xffff;
	[tilespmem:s8+$0x70] =	vst v8  }
0xd3: {  	v1 =	vor.u32 v10, v1;
	[tilespmem:s8+$0x40] =	vst v12;
	v22 =	vld.idx.msk [tilespmem:v13+s18+$0x0], $0xffff  }
0xd4: {  	v8 =	vshll.u32 v17, $0x2;
	v12 =	vor.u32 $0x80, v5;
	v13 =	vld.idx.msk [tilespmem:v0+s18+$0x0], $0xffff;
	[tilespmem:s8+$0x90] =	vst v7  }
0xd5: {  	v10 =	vand.u32 $0xFFFFFE00, v8;
	v8 =	vor.u32 $0x80, v3;
	v7 =	vand.u32 $0x7F, v17;
	[tilespmem:s8+$0xB0] =	vst v16;
	v16 =	vld.idx.msk [tilespmem:v18+s18+$0x0], $0xffff  }
0xd6: {  	v7 =	vor.u32 v7, v10;
	[tilespmem:s8+$0xD0] =	vst v11;
	v23 =	vld.idx.msk [tilespmem:v19+s18+$0x0], $0xffff  }
0xd7: {  	v14 =	vor.u32 $0x80, v7;
	v11 =	vld.idx.msk [tilespmem:v2+s18+$0x0], $0xffff  }
.Ltmp6:
0xd8: {  	[tilespmem:s6+$0xFFFFFF00] =	vst v15;
	v15 =	vor.u32 $0x80, v2;
	v17 =	vld.idx.msk [tilespmem:v5+s18+$0x0], $0xffff;
	(pc) =	sbr.rel @p2 .LBB2_9-.Ltmp6, $4  }
0xd9: {  	v20 =	vor.u32 $0x80, v0;
	v10 =	vld.idx.msk [tilespmem:v1+s18+$0x0], $0xffff;
	[tilespmem:s8+$0xF0] =	vst v22  }
0xda: {  	v18 =	vld.idx.msk [tilespmem:v21+s18+$0x0], $0xffff;
	[tilespmem:s8+$0xA0] =	vst v9  }
0xdb: {  	v19 =	vld.idx.msk [tilespmem:v7+s18+$0x0], $0xffff;
	[tilespmem:s8+$0xC0] =	vst v16  }
0xdc: {  	s13 =	sadd.s32 $0x80, s13;
	v9 =	vor.u32 $0x80, v1;
	v16 =	vld.idx.msk [tilespmem:v6+s18+$0x0], $0xffff;
	[tilespmem:s8+$0xE0] =	vst v23;
	s8 =	smov.u32 s6  }
0xdd: {  	_ =	sdelay $0x1  }
0xde: {  	[tilespmem:s8+$0xFFFFFF40] =	vst v13  }
0xdf: {  	[tilespmem:s8+$0xFFFFFF50] =	vst v17  }
0xe0: {  	v34 =	vld.idx.msk [tilespmem:v3+s18+$0x0], $0xffff;
	[tilespmem:s8+$0xFFFFFF20] =	vst v11  }
0xe1: {  	v36 =	vor.u32 $0x80, v6;
	v35 =	vld.idx.msk [tilespmem:v20+s18+$0x0], $0xffff;
	[tilespmem:s8+$0xFFFFFF60] =	vst v10  }
0xe2: {  	v37 =	vor.u32 $0x100, v4;
	v12 =	vld.idx.msk [tilespmem:v12+s18+$0x0], $0xffff;
	[tilespmem:s8+$0xFFFFFF80] =	vst v18  }
0xe3: {  	v39 =	vld.idx.msk [tilespmem:v15+s18+$0x0], $0xffff;
	[tilespmem:s8+$0xFFFFFF10] =	vst v19  }
0xe4: {  	v40 =	vor.u32 $0x100, v5;
	v9 =	vld.idx.msk [tilespmem:v9+s18+$0x0], $0xffff;
	[tilespmem:s8+$0xFFFFFF30] =	vst v16  }
0xe5: {  	v46 =	vor.u32 $0x100, v2;
	v38 =	vld.idx.msk [tilespmem:v14+s18+$0x0], $0xffff;
	[tilespmem:s8+$0xFFFFFF70] =	vst v34  }
0xe6: {  	v51 =	vor.u32 $0x100, v0;
	v41 =	vld.idx.msk [tilespmem:v36+s18+$0x0], $0xffff;
	[tilespmem:s8+$0xFFFFFFC0] =	vst v35  }
0xe7: {  	v49 =	vor.u32 $0x100, v1;
	v43 =	vld.idx.msk [tilespmem:v37+s18+$0x0], $0xffff;
	[tilespmem:s8+$0xFFFFFFD0] =	vst v12  }
0xe8: {  	v42 =	vor.u32 $0x100, v7;
	v8 =	vld.idx.msk [tilespmem:v8+s18+$0x0], $0xffff;
	[tilespmem:s8+$0xFFFFFFA0] =	vst v39  }
0xe9: {  	v44 =	vor.u32 $0x100, v6;
	v47 =	vld.idx.msk [tilespmem:v40+s18+$0x0], $0xffff;
	[tilespmem:s8+$0xFFFFFFE0] =	vst v9  }
0xea: {  	v45 =	vor.u32 $0x180, v4;
	v54 =	vld.idx.msk [tilespmem:v46+s18+$0x0], $0xffff;
	[tilespmem:s8+$0xFFFFFF90] =	vst v38  }
0xeb: {  	v48 =	vor.u32 $0x100, v3;
	v60 =	vld.idx.msk [tilespmem:v51+s18+$0x0], $0xffff;
	[tilespmem:s8+$0xFFFFFFB0] =	vst v41  }
0xec: {  	v55 =	vor.u32 $0x180, v5;
	v57 =	vld.idx.msk [tilespmem:v49+s18+$0x0], $0xffff;
	[tilespmem:s8+$0x0] =	vst v43  }
0xed: {  	v59 =	vor.u32 $0x180, v2;
	v50 =	vld.idx.msk [tilespmem:v42+s18+$0x0], $0xffff;
	[tilespmem:s8+$0xFFFFFFF0] =	vst v8  }
0xee: {  	v61 =	vor.u32 $0x180, v0;
	v12 =	vld.idx.msk [tilespmem:v44+s18+$0x0], $0xffff;
	[tilespmem:s8+$0x50] =	vst v47  }
0xef: {  	v63 =	vor.u32 $0x180, v1;
	v4 =	vld.idx.msk [tilespmem:v45+s18+$0x0], $0xffff;
	[tilespmem:s8+$0x20] =	vst v54  }
0xf0: {  	v52 =	vor.u32 $0x180, v7;
	v56 =	vld.idx.msk [tilespmem:v48+s18+$0x0], $0xffff;
	[tilespmem:s8+$0x40] =	vst v60  }
0xf1: {  	v53 =	vor.u32 $0x180, v6;
	v5 =	vld.idx.msk [tilespmem:v55+s18+$0x0], $0xffff;
	[tilespmem:s8+$0x60] =	vst v57  }
0xf2: {  	v58 =	vor.u32 $0x180, v3;
	v2 =	vld.idx.msk [tilespmem:v59+s18+$0x0], $0xffff;
	[tilespmem:s8+$0x10] =	vst v50  }
0xf3: {  	v0 =	vld.idx.msk [tilespmem:v61+s18+$0x0], $0xffff;
	[tilespmem:s8+$0x30] =	vst v12  }
0xf4: {  	v1 =	vld.idx.msk [tilespmem:v63+s18+$0x0], $0xffff;
	[tilespmem:s8+$0x80] =	vst v4  }
0xf5: {  	v7 =	vld.idx.msk [tilespmem:v52+s18+$0x0], $0xffff;
	[tilespmem:s8+$0x70] =	vst v56  }
0xf6: {  	v62 =	vld.idx.msk [tilespmem:v53+s18+$0x0], $0xffff;
	[tilespmem:s8+$0xD0] =	vst v5  }
0xf7: {  	v3 =	vld.idx.msk [tilespmem:v58+s18+$0x0], $0xffff;
	[tilespmem:s8+$0xA0] =	vst v2  }
0xf8: {  	[tilespmem:s8+$0xC0] =	vst v0  }
.Ltmp7:
0xf9: {  	[tilespmem:s8+$0xE0] =	vst v1;
	(pc) =	sbr.rel @p1 .LBB2_12-.Ltmp7, $4  }
0xfa: {  	[tilespmem:s8+$0x90] =	vst v7  }
0xfb: {  	[tilespmem:s8+$0xB0] =	vst v62  }
0xfc: {  	s6 =	sadd.s32 s7, s11;
	[tilespmem:s8+$0xF0] =	vst v3  }
0xfd: {  	[hbm4b:s6+s15] =	stream.strided.scatter [tilespmem:s25], [sflag:$0x6], $0x2000, s16, s15, $0x38;
	[tilespmem:$0x10800] =	vst v63  }
.Ltmp8:
0xfe: {  	(pc) =	sbr.rel .LBB2_13-.Ltmp8, $4  }
0xff: {  	_ = 	snop  }
0x100: {  	_ =	swait.ge [sflag:s26], $0x2000  }
0x101: {  	[sflag:s26] =	ssyncset.done $0x0  }
0x102: {  	[sflag:s26] =	ssyncadd.s32 $0xFFFFE000  }
.LBB2_12:
.Ltmp9:
0x103: {  	s6 =	sadd.s32 s7, s12;
	(pc) =	sbr.rel @p0 .LBB2_14-.Ltmp9, $4  }
0x104: {  	[tilespmem:s18], [sflag:$0x2] =	stream.strided.gather [hbm4b:s6+s15], $0x2000, s16, s15, $0x38;
	[tilespmem:$0x10800] =	vst v63  }
0x105: {  	_ =	swait.ge [sflag:s26], $0x2000  }
0x106: {  	[sflag:s26] =	ssyncset.done $0x0  }
0x107: {  	[sflag:s26] =	ssyncadd.s32 $0xFFFFE000  }
.LBB2_13:
0x108: {  	_ =	swait.ge [sflag:s28], $0x2000  }
0x109: {  	[sflag:s28] =	ssyncset.done $0x0  }
0x10a: {  	[sflag:s28] =	ssyncadd.s32 $0xFFFFE000  }
.LBB2_14:
0x10b: {  	s6 =	simm.s32 $0x40  }
0x10c: {  	v0 =	vld [tilespmem:s6+$0xFFFFFFC0]  }
0x10d: {  	v1 =	vld [tilespmem:s6+$0x10]  }
0x10e: {  	v3 =	vld [tilespmem:s6+$0xFFFFFFE0]  }
0x10f: {  	v2 =	vld [tilespmem:s6+$0x0];
	_ =	sdelay $0x1  }
0x110: {  	v6 =	vld [tilespmem:s6+$0x20]  }
0x111: {  	v7 =	vld [tilespmem:s6+$0xFFFFFFF0];
	v4 =	vshll.u32 v0, $0x2;
	v0 =	vand.u32 $0x7F, v0;
	v5 =	vshll.u32 v1, $0x2  }
0x112: {  	v1 =	vand.u32 $0x7F, v1;
	v9 =	vshll.u32 v3, $0x2;
	v4 =	vand.u32 $0xFFFFFE00, v4  }
0x113: {  	v8 =	vld [tilespmem:s6+$0xFFFFFFD0];
	v3 =	vand.u32 $0x7F, v3;
	v4 =	vor.u32 v0, v4;
	v0 =	vshll.u32 v2, $0x2  }
0x114: {  	v5 =	vand.u32 $0xFFFFFE00, v5;
	v2 =	vand.u32 $0x7F, v2;
	v0 =	vand.u32 $0xFFFFFE00, v0  }
0x115: {  	v5 =	vor.u32 v1, v5;
	v0 =	vor.u32 v2, v0;
	v2 =	vand.u32 $0xFFFFFE00, v9;
	v9 =	vld [tilespmem:s6+$0x30]  }
0x116: {  	v11 =	vand.u32 $0x7F, v7;
	v2 =	vor.u32 v3, v2;
	v3 =	vshll.u32 v6, $0x2  }
0x117: {  	v1 =	vand.u32 $0x7F, v6;
	v12 =	vor.u32 $0x80, v4;
	v3 =	vand.u32 $0xFFFFFE00, v3  }
0x118: {  	v6 =	vshll.u32 v7, $0x2;
	v10 =	vld.idx.msk [tilespmem:v4+s19+$0x0], $0xffff;
	v1 =	vor.u32 v1, v3;
	v3 =	vshll.u32 v8, $0x2  }
0x119: {  	v6 =	vand.u32 $0xFFFFFE00, v6;
	v8 =	vand.u32 $0x7F, v8;
	v3 =	vand.u32 $0xFFFFFE00, v3  }
0x11a: {  	v6 =	vor.u32 v11, v6;
	v17 =	vld.idx.msk [tilespmem:v5+s19+$0x0], $0xffff;
	v7 =	vor.u32 v8, v3;
	v3 =	vshll.u32 v9, $0x2  }
0x11b: {  	v13 =	vld.idx.msk [tilespmem:v0+s19+$0x0], $0xffff;
	v8 =	vand.u32 $0x7F, v9;
	v3 =	vand.u32 $0xFFFFFE00, v3  }
0x11c: {  	s8 =	simm.s32 $0xC900;
	v11 =	vld.idx.msk [tilespmem:v2+s19+$0x0], $0xffff;
	v3 =	vor.u32 v8, v3  }
0x11d: {  	v20 =	vor.u32 $0x80, v0;
	[tilespmem:s8+$0xFFFFFF00] =	vst v10;
	v10 =	vld.idx.msk [tilespmem:v1+s19+$0x0], $0xffff  }
0x11e: {  	v18 =	vld.idx.msk [tilespmem:v12+s19+$0x0], $0xffff;
	v12 =	vor.u32 $0x80, v5  }
0x11f: {  	v15 =	vor.u32 $0x80, v2;
	v16 =	vld.idx.msk [tilespmem:v6+s19+$0x0], $0xffff  }
0x120: {  	s9 =	simm.s32 $0x0;
	s13 =	simm.s32 $0xC0;
	s6 =	simm.s32 $0xC900;
	v9 =	vor.u32 $0x80, v1;
	v14 =	vor.u32 $0x80, v7;
	v8 =	vor.u32 $0x80, v3;
	v19 =	vld.idx.msk [tilespmem:v7+s19+$0x0], $0xffff  }
.LBB2_15:
0x121: {  	s9 =	sadd.s32 $0x8, s9;
	[tilespmem:s8+$0xFFFFFF40] =	vst v13;
	v13 =	vld.idx.msk [tilespmem:v3+s19+$0x0], $0xffff;
	s6 =	sadd.s32 $0x200, s6  }
0x122: {  	p2 =	slt.u32 s9, $0x78;
	v20 =	vld.idx.msk [tilespmem:v20+s19+$0x0], $0xffff;
	[tilespmem:s8+$0xFFFFFF50] =	vst v17  }
0x123: {  	v17 =	vor.u32 $0x100, v4;
	v12 =	vld.idx.msk [tilespmem:v12+s19+$0x0], $0xffff  }
0x124: {  	v21 =	vld [tilespmem:s13+$0x10];
	[tilespmem:s8+$0xFFFFFF80] =	vst v18  }
0x125: {  	v18 =	vld [tilespmem:s13+$0xFFFFFFE0];
	[tilespmem:s8+$0xFFFFFF10] =	vst v19;
	v19 =	vor.u32 $0x80, v6  }
0x126: {  	v14 =	vld.idx.msk [tilespmem:v14+s19+$0x0], $0xffff;
	[tilespmem:s8+$0xFFFFFF20] =	vst v11  }
0x127: {  	v11 =	vld.idx.msk [tilespmem:v15+s19+$0x0], $0xffff;
	[tilespmem:s8+$0xFFFFFF70] =	vst v13  }
0x128: {  	v13 =	vld.idx.msk [tilespmem:v17+s19+$0x0], $0xffff;
	[tilespmem:s8+$0xFFFFFFC0] =	vst v20  }
0x129: {  	v15 =	vld [tilespmem:s13+$0xFFFFFFF0];
	[tilespmem:s8+$0xFFFFFF30] =	vst v16  }
0x12a: {  	v16 =	vld.idx.msk [tilespmem:v19+s19+$0x0], $0xffff;
	[tilespmem:s8+$0xFFFFFFD0] =	vst v12  }
0x12b: {  	v12 =	vld [tilespmem:s13+$0xFFFFFFC0];
	[tilespmem:s8+$0xFFFFFF60] =	vst v10  }
0x12c: {  	[tilespmem:s8+$0xFFFFFF90] =	vst v14;
	v8 =	vld.idx.msk [tilespmem:v8+s19+$0x0], $0xffff  }
0x12d: {  	v10 =	vld [tilespmem:s13+$0x20];
	[tilespmem:s8+$0xFFFFFFA0] =	vst v11;
	v11 =	vor.u32 $0x100, v5  }
0x12e: {  	v14 =	vld [tilespmem:s13+$0x30];
	[tilespmem:s8+$0x0] =	vst v13;
	v13 =	vor.u32 $0x100, v7  }
0x12f: {  	v19 =	vor.u32 $0x100, v6;
	v17 =	vld [tilespmem:s13+$0xFFFFFFD0]  }
0x130: {  	v20 =	vor.u32 $0x180, v4;
	[tilespmem:s8+$0xFFFFFFB0] =	vst v16;
	v9 =	vld.idx.msk [tilespmem:v9+s19+$0x0], $0xffff  }
0x131: {  	v22 =	vor.u32 $0x100, v2;
	v23 =	vor.u32 $0x180, v5;
	v5 =	vor.u32 $0x100, v1;
	v16 =	vld [tilespmem:s13+$0x0]  }
0x132: {  	v24 =	vor.u32 $0x100, v0;
	v4 =	vshll.u32 v12, $0x2;
	v11 =	vld.idx.msk [tilespmem:v11+s19+$0x0], $0xffff;
	[tilespmem:s8+$0xFFFFFFF0] =	vst v8;
	v8 =	vor.u32 $0x100, v3  }
0x133: {  	v4 =	vand.u32 $0xFFFFFE00, v4;
	v25 =	vand.u32 $0x7F, v14;
	v14 =	vshll.u32 v14, $0x2;
	v13 =	vld.idx.msk [tilespmem:v13+s19+$0x0], $0xffff  }
0x134: {  	v6 =	vor.u32 $0x180, v6;
	v12 =	vand.u32 $0x7F, v12;
	v14 =	vand.u32 $0xFFFFFE00, v14;
	v19 =	vld.idx.msk [tilespmem:v19+s19+$0x0], $0xffff  }
0x135: {  	v7 =	vor.u32 $0x180, v7;
	v4 =	vor.u32 v12, v4;
	v12 =	vshll.u32 v21, $0x2;
	v20 =	vld.idx.msk [tilespmem:v20+s19+$0x0], $0xffff  }
0x136: {  	v26 =	vshll.u32 v15, $0x2;
	v14 =	vor.u32 v25, v14;
	v27 =	vshll.u32 v16, $0x2;
	v22 =	vld.idx.msk [tilespmem:v22+s19+$0x0], $0xffff;
	[tilespmem:s8+$0xFFFFFFE0] =	vst v9  }
0x137: {  	v21 =	vand.u32 $0x7F, v21;
	v9 =	vand.u32 $0xFFFFFE00, v26;
	v16 =	vand.u32 $0x7F, v16;
	v25 =	vld.idx.msk [tilespmem:v5+s19+$0x0], $0xffff  }
0x138: {  	v12 =	vand.u32 $0xFFFFFE00, v12;
	v26 =	vor.u32 $0x180, v2;
	v5 =	vand.u32 $0xFFFFFE00, v27;
	[tilespmem:s8+$0x50] =	vst v11;
	v8 =	vld.idx.msk [tilespmem:v8+s19+$0x0], $0xffff  }
0x139: {  	v2 =	vshll.u32 v18, $0x2;
	v11 =	vor.u32 v16, v5;
	v5 =	vor.u32 v21, v12;
	[tilespmem:s8+$0x10] =	vst v13;
	v12 =	vld.idx.msk [tilespmem:v24+s19+$0x0], $0xffff  }
0x13a: {  	v2 =	vand.u32 $0xFFFFFE00, v2;
	v13 =	vor.u32 $0x180, v3;
	v3 =	vmov v14;
	v7 =	vld.idx.msk [tilespmem:v7+s19+$0x0], $0xffff;
	[tilespmem:s8+$0x30] =	vst v19  }
0x13b: {  	v14 =	vand.u32 $0x7F, v18;
	v18 =	vor.u32 $0x180, v0;
	v0 =	vmovc v11;
	v19 =	vor.u32 $0x180, v1;
	[tilespmem:s8+$0x80] =	vst v20;
	v16 =	vld.idx.msk [tilespmem:v6+s19+$0x0], $0xffff  }
0x13c: {  	v21 =	vor.u32 $0x80, v4;
	v2 =	vor.u32 v14, v2;
	v1 =	vand.u32 $0x7F, v15;
	[tilespmem:s8+$0x20] =	vst v22;
	v11 =	vld.idx.msk [tilespmem:v23+s19+$0x0], $0xffff  }
0x13d: {  	v6 =	vor.u32 v1, v9;
	v1 =	vshll.u32 v10, $0x2;
	v9 =	vld.idx.msk [tilespmem:v26+s19+$0x0], $0xffff;
	[tilespmem:s8+$0x60] =	vst v25  }
0x13e: {  	v10 =	vand.u32 $0x7F, v10;
	v1 =	vand.u32 $0xFFFFFE00, v1;
	v15 =	vld.idx.msk [tilespmem:v4+s19+$0x0], $0xffff;
	[tilespmem:s8+$0x70] =	vst v8  }
0x13f: {  	v1 =	vor.u32 v10, v1;
	[tilespmem:s8+$0x40] =	vst v12;
	v22 =	vld.idx.msk [tilespmem:v13+s19+$0x0], $0xffff  }
0x140: {  	v8 =	vshll.u32 v17, $0x2;
	v12 =	vor.u32 $0x80, v5;
	v13 =	vld.idx.msk [tilespmem:v0+s19+$0x0], $0xffff;
	[tilespmem:s8+$0x90] =	vst v7  }
0x141: {  	v10 =	vand.u32 $0xFFFFFE00, v8;
	v8 =	vor.u32 $0x80, v3;
	v7 =	vand.u32 $0x7F, v17;
	[tilespmem:s8+$0xB0] =	vst v16;
	v16 =	vld.idx.msk [tilespmem:v18+s19+$0x0], $0xffff  }
0x142: {  	v7 =	vor.u32 v7, v10;
	[tilespmem:s8+$0xD0] =	vst v11;
	v23 =	vld.idx.msk [tilespmem:v19+s19+$0x0], $0xffff  }
0x143: {  	v14 =	vor.u32 $0x80, v7;
	v11 =	vld.idx.msk [tilespmem:v2+s19+$0x0], $0xffff  }
.Ltmp10:
0x144: {  	[tilespmem:s6+$0xFFFFFF00] =	vst v15;
	v15 =	vor.u32 $0x80, v2;
	v17 =	vld.idx.msk [tilespmem:v5+s19+$0x0], $0xffff;
	(pc) =	sbr.rel @p2 .LBB2_15-.Ltmp10, $4  }
0x145: {  	v20 =	vor.u32 $0x80, v0;
	v10 =	vld.idx.msk [tilespmem:v1+s19+$0x0], $0xffff;
	[tilespmem:s8+$0xF0] =	vst v22  }
0x146: {  	v18 =	vld.idx.msk [tilespmem:v21+s19+$0x0], $0xffff;
	[tilespmem:s8+$0xA0] =	vst v9  }
0x147: {  	v19 =	vld.idx.msk [tilespmem:v7+s19+$0x0], $0xffff;
	[tilespmem:s8+$0xC0] =	vst v16  }
0x148: {  	s13 =	sadd.s32 $0x80, s13;
	v9 =	vor.u32 $0x80, v1;
	v16 =	vld.idx.msk [tilespmem:v6+s19+$0x0], $0xffff;
	[tilespmem:s8+$0xE0] =	vst v23;
	s8 =	smov.u32 s6  }
0x149: {  	_ =	sdelay $0x1  }
0x14a: {  	[tilespmem:s8+$0xFFFFFF40] =	vst v13  }
0x14b: {  	[tilespmem:s8+$0xFFFFFF50] =	vst v17  }
0x14c: {  	v34 =	vld.idx.msk [tilespmem:v3+s19+$0x0], $0xffff;
	[tilespmem:s8+$0xFFFFFF20] =	vst v11  }
0x14d: {  	v36 =	vor.u32 $0x80, v6;
	v35 =	vld.idx.msk [tilespmem:v20+s19+$0x0], $0xffff;
	[tilespmem:s8+$0xFFFFFF60] =	vst v10  }
0x14e: {  	v37 =	vor.u32 $0x100, v4;
	v12 =	vld.idx.msk [tilespmem:v12+s19+$0x0], $0xffff;
	[tilespmem:s8+$0xFFFFFF80] =	vst v18  }
0x14f: {  	v39 =	vld.idx.msk [tilespmem:v15+s19+$0x0], $0xffff;
	[tilespmem:s8+$0xFFFFFF10] =	vst v19  }
0x150: {  	v40 =	vor.u32 $0x100, v5;
	v9 =	vld.idx.msk [tilespmem:v9+s19+$0x0], $0xffff;
	[tilespmem:s8+$0xFFFFFF30] =	vst v16  }
0x151: {  	v46 =	vor.u32 $0x100, v2;
	v38 =	vld.idx.msk [tilespmem:v14+s19+$0x0], $0xffff;
	[tilespmem:s8+$0xFFFFFF70] =	vst v34  }
0x152: {  	v51 =	vor.u32 $0x100, v0;
	v41 =	vld.idx.msk [tilespmem:v36+s19+$0x0], $0xffff;
	[tilespmem:s8+$0xFFFFFFC0] =	vst v35  }
0x153: {  	v49 =	vor.u32 $0x100, v1;
	v43 =	vld.idx.msk [tilespmem:v37+s19+$0x0], $0xffff;
	[tilespmem:s8+$0xFFFFFFD0] =	vst v12  }
0x154: {  	v42 =	vor.u32 $0x100, v7;
	v8 =	vld.idx.msk [tilespmem:v8+s19+$0x0], $0xffff;
	[tilespmem:s8+$0xFFFFFFA0] =	vst v39  }
0x155: {  	v44 =	vor.u32 $0x100, v6;
	v47 =	vld.idx.msk [tilespmem:v40+s19+$0x0], $0xffff;
	[tilespmem:s8+$0xFFFFFFE0] =	vst v9  }
0x156: {  	v45 =	vor.u32 $0x180, v4;
	v54 =	vld.idx.msk [tilespmem:v46+s19+$0x0], $0xffff;
	[tilespmem:s8+$0xFFFFFF90] =	vst v38  }
0x157: {  	v48 =	vor.u32 $0x100, v3;
	v60 =	vld.idx.msk [tilespmem:v51+s19+$0x0], $0xffff;
	[tilespmem:s8+$0xFFFFFFB0] =	vst v41  }
0x158: {  	v55 =	vor.u32 $0x180, v5;
	v57 =	vld.idx.msk [tilespmem:v49+s19+$0x0], $0xffff;
	[tilespmem:s8+$0x0] =	vst v43  }
0x159: {  	v59 =	vor.u32 $0x180, v2;
	v50 =	vld.idx.msk [tilespmem:v42+s19+$0x0], $0xffff;
	[tilespmem:s8+$0xFFFFFFF0] =	vst v8  }
0x15a: {  	v61 =	vor.u32 $0x180, v0;
	v12 =	vld.idx.msk [tilespmem:v44+s19+$0x0], $0xffff;
	[tilespmem:s8+$0x50] =	vst v47  }
0x15b: {  	v63 =	vor.u32 $0x180, v1;
	v4 =	vld.idx.msk [tilespmem:v45+s19+$0x0], $0xffff;
	[tilespmem:s8+$0x20] =	vst v54  }
0x15c: {  	v52 =	vor.u32 $0x180, v7;
	v56 =	vld.idx.msk [tilespmem:v48+s19+$0x0], $0xffff;
	[tilespmem:s8+$0x40] =	vst v60  }
0x15d: {  	v53 =	vor.u32 $0x180, v6;
	v5 =	vld.idx.msk [tilespmem:v55+s19+$0x0], $0xffff;
	[tilespmem:s8+$0x60] =	vst v57  }
0x15e: {  	v58 =	vor.u32 $0x180, v3;
	v2 =	vld.idx.msk [tilespmem:v59+s19+$0x0], $0xffff;
	[tilespmem:s8+$0x10] =	vst v50  }
0x15f: {  	v0 =	vld.idx.msk [tilespmem:v61+s19+$0x0], $0xffff;
	[tilespmem:s8+$0x30] =	vst v12  }
0x160: {  	v1 =	vld.idx.msk [tilespmem:v63+s19+$0x0], $0xffff;
	[tilespmem:s8+$0x80] =	vst v4  }
0x161: {  	v7 =	vld.idx.msk [tilespmem:v52+s19+$0x0], $0xffff;
	[tilespmem:s8+$0x70] =	vst v56  }
0x162: {  	v62 =	vld.idx.msk [tilespmem:v53+s19+$0x0], $0xffff;
	[tilespmem:s8+$0xD0] =	vst v5  }
0x163: {  	v3 =	vld.idx.msk [tilespmem:v58+s19+$0x0], $0xffff;
	[tilespmem:s8+$0xA0] =	vst v2  }
0x164: {  	[tilespmem:s8+$0xC0] =	vst v0  }
.Ltmp11:
0x165: {  	[tilespmem:s8+$0xE0] =	vst v1;
	(pc) =	sbr.rel @p1 .LBB2_18-.Ltmp11, $4  }
0x166: {  	[tilespmem:s8+$0x90] =	vst v7  }
0x167: {  	s7 =	sor.u32 $0x800, s7;
	[tilespmem:s8+$0xB0] =	vst v62  }
0x168: {  	s6 =	sadd.s32 s3, s7;
	[tilespmem:s8+$0xF0] =	vst v3  }
0x169: {  	[hbm4b:s6+s15] =	stream.strided.scatter [tilespmem:s29], [sflag:$0x7], $0x2000, s16, s15, $0x38;
	[tilespmem:$0x10800] =	vst v63  }
.Ltmp12:
0x16a: {  	(pc) =	sbr.rel .LBB2_19-.Ltmp12, $4  }
0x16b: {  	_ = 	snop  }
0x16c: {  	_ =	swait.ge [sflag:s30], $0x2000  }
0x16d: {  	[sflag:s30] =	ssyncset.done $0x0  }
0x16e: {  	[sflag:s30] =	ssyncadd.s32 $0xFFFFE000  }
.LBB2_18:
.Ltmp13:
0x16f: {  	s6 =	sadd.s32 s7, s10;
	(pc) =	sbr.rel @p0 .LBB2_20-.Ltmp13, $4  }
0x170: {  	[tilespmem:s19], [sflag:$0x3] =	stream.strided.gather [hbm4b:s6+s15], $0x2000, s16, s15, $0x38;
	[tilespmem:$0x10800] =	vst v63  }
0x171: {  	_ =	swait.ge [sflag:s30], $0x2000  }
0x172: {  	[sflag:s30] =	ssyncset.done $0x0  }
0x173: {  	[sflag:s30] =	ssyncadd.s32 $0xFFFFE000  }
.LBB2_19:
0x174: {  	_ =	swait.ge [sflag:s31], $0x2000  }
0x175: {  	[sflag:s31] =	ssyncset.done $0x0  }
0x176: {  	[sflag:s31] =	ssyncadd.s32 $0xFFFFE000  }
.LBB2_20:
0x177: {  	s6 =	simm.s32 $0x40  }
0x178: {  	v0 =	vld [tilespmem:s6+$0xFFFFFFC0]  }
0x179: {  	v1 =	vld [tilespmem:s6+$0x10]  }
0x17a: {  	v3 =	vld [tilespmem:s6+$0xFFFFFFE0]  }
0x17b: {  	v2 =	vld [tilespmem:s6+$0x0];
	_ =	sdelay $0x1  }
0x17c: {  	v6 =	vld [tilespmem:s6+$0x20]  }
0x17d: {  	v7 =	vld [tilespmem:s6+$0xFFFFFFF0];
	v4 =	vshll.u32 v0, $0x2;
	v0 =	vand.u32 $0x7F, v0;
	v5 =	vshll.u32 v1, $0x2  }
0x17e: {  	v1 =	vand.u32 $0x7F, v1;
	v9 =	vshll.u32 v3, $0x2;
	v4 =	vand.u32 $0xFFFFFE00, v4  }
0x17f: {  	v8 =	vld [tilespmem:s6+$0xFFFFFFD0];
	v3 =	vand.u32 $0x7F, v3;
	v4 =	vor.u32 v0, v4;
	v0 =	vshll.u32 v2, $0x2  }
0x180: {  	v5 =	vand.u32 $0xFFFFFE00, v5;
	v2 =	vand.u32 $0x7F, v2;
	v0 =	vand.u32 $0xFFFFFE00, v0  }
0x181: {  	v5 =	vor.u32 v1, v5;
	v0 =	vor.u32 v2, v0;
	v2 =	vand.u32 $0xFFFFFE00, v9;
	v9 =	vld [tilespmem:s6+$0x30]  }
0x182: {  	v11 =	vand.u32 $0x7F, v7;
	v2 =	vor.u32 v3, v2;
	v3 =	vshll.u32 v6, $0x2  }
0x183: {  	v1 =	vand.u32 $0x7F, v6;
	v12 =	vor.u32 $0x80, v4;
	v3 =	vand.u32 $0xFFFFFE00, v3  }
0x184: {  	v6 =	vshll.u32 v7, $0x2;
	v10 =	vld.idx.msk [tilespmem:v4+s20+$0x0], $0xffff;
	v1 =	vor.u32 v1, v3;
	v3 =	vshll.u32 v8, $0x2  }
0x185: {  	v6 =	vand.u32 $0xFFFFFE00, v6;
	v8 =	vand.u32 $0x7F, v8;
	v3 =	vand.u32 $0xFFFFFE00, v3  }
0x186: {  	v6 =	vor.u32 v11, v6;
	v17 =	vld.idx.msk [tilespmem:v5+s20+$0x0], $0xffff;
	v7 =	vor.u32 v8, v3;
	v3 =	vshll.u32 v9, $0x2  }
0x187: {  	v13 =	vld.idx.msk [tilespmem:v0+s20+$0x0], $0xffff;
	v8 =	vand.u32 $0x7F, v9;
	v3 =	vand.u32 $0xFFFFFE00, v3  }
0x188: {  	s8 =	simm.s32 $0xE900;
	v11 =	vld.idx.msk [tilespmem:v2+s20+$0x0], $0xffff;
	v3 =	vor.u32 v8, v3  }
0x189: {  	v20 =	vor.u32 $0x80, v0;
	[tilespmem:s8+$0xFFFFFF00] =	vst v10;
	v10 =	vld.idx.msk [tilespmem:v1+s20+$0x0], $0xffff  }
0x18a: {  	v18 =	vld.idx.msk [tilespmem:v12+s20+$0x0], $0xffff;
	v12 =	vor.u32 $0x80, v5  }
0x18b: {  	v15 =	vor.u32 $0x80, v2;
	v16 =	vld.idx.msk [tilespmem:v6+s20+$0x0], $0xffff  }
0x18c: {  	s9 =	simm.s32 $0x0;
	s13 =	simm.s32 $0xC0;
	s6 =	simm.s32 $0xE900;
	v9 =	vor.u32 $0x80, v1;
	v14 =	vor.u32 $0x80, v7;
	v8 =	vor.u32 $0x80, v3;
	v19 =	vld.idx.msk [tilespmem:v7+s20+$0x0], $0xffff  }
.LBB2_21:
0x18d: {  	s9 =	sadd.s32 $0x8, s9;
	[tilespmem:s8+$0xFFFFFF40] =	vst v13;
	v13 =	vld.idx.msk [tilespmem:v3+s20+$0x0], $0xffff;
	s6 =	sadd.s32 $0x200, s6  }
0x18e: {  	p0 =	slt.u32 s9, $0x78;
	v20 =	vld.idx.msk [tilespmem:v20+s20+$0x0], $0xffff;
	[tilespmem:s8+$0xFFFFFF50] =	vst v17  }
0x18f: {  	v17 =	vor.u32 $0x100, v4;
	v12 =	vld.idx.msk [tilespmem:v12+s20+$0x0], $0xffff  }
0x190: {  	v21 =	vld [tilespmem:s13+$0x10];
	[tilespmem:s8+$0xFFFFFF80] =	vst v18  }
0x191: {  	v18 =	vld [tilespmem:s13+$0xFFFFFFE0];
	[tilespmem:s8+$0xFFFFFF10] =	vst v19;
	v19 =	vor.u32 $0x80, v6  }
0x192: {  	v14 =	vld.idx.msk [tilespmem:v14+s20+$0x0], $0xffff;
	[tilespmem:s8+$0xFFFFFF20] =	vst v11  }
0x193: {  	v11 =	vld.idx.msk [tilespmem:v15+s20+$0x0], $0xffff;
	[tilespmem:s8+$0xFFFFFF70] =	vst v13  }
0x194: {  	v13 =	vld.idx.msk [tilespmem:v17+s20+$0x0], $0xffff;
	[tilespmem:s8+$0xFFFFFFC0] =	vst v20  }
0x195: {  	v15 =	vld [tilespmem:s13+$0xFFFFFFF0];
	[tilespmem:s8+$0xFFFFFF30] =	vst v16  }
0x196: {  	v16 =	vld.idx.msk [tilespmem:v19+s20+$0x0], $0xffff;
	[tilespmem:s8+$0xFFFFFFD0] =	vst v12  }
0x197: {  	v12 =	vld [tilespmem:s13+$0xFFFFFFC0];
	[tilespmem:s8+$0xFFFFFF60] =	vst v10  }
0x198: {  	[tilespmem:s8+$0xFFFFFF90] =	vst v14;
	v8 =	vld.idx.msk [tilespmem:v8+s20+$0x0], $0xffff  }
0x199: {  	v10 =	vld [tilespmem:s13+$0x20];
	[tilespmem:s8+$0xFFFFFFA0] =	vst v11;
	v11 =	vor.u32 $0x100, v5  }
0x19a: {  	v14 =	vld [tilespmem:s13+$0x30];
	[tilespmem:s8+$0x0] =	vst v13;
	v13 =	vor.u32 $0x100, v7  }
0x19b: {  	v19 =	vor.u32 $0x100, v6;
	v17 =	vld [tilespmem:s13+$0xFFFFFFD0]  }
0x19c: {  	v20 =	vor.u32 $0x180, v4;
	[tilespmem:s8+$0xFFFFFFB0] =	vst v16;
	v9 =	vld.idx.msk [tilespmem:v9+s20+$0x0], $0xffff  }
0x19d: {  	v22 =	vor.u32 $0x100, v2;
	v23 =	vor.u32 $0x180, v5;
	v5 =	vor.u32 $0x100, v1;
	v16 =	vld [tilespmem:s13+$0x0]  }
0x19e: {  	v24 =	vor.u32 $0x100, v0;
	v4 =	vshll.u32 v12, $0x2;
	v11 =	vld.idx.msk [tilespmem:v11+s20+$0x0], $0xffff;
	[tilespmem:s8+$0xFFFFFFF0] =	vst v8;
	v8 =	vor.u32 $0x100, v3  }
0x19f: {  	v4 =	vand.u32 $0xFFFFFE00, v4;
	v25 =	vand.u32 $0x7F, v14;
	v14 =	vshll.u32 v14, $0x2;
	v13 =	vld.idx.msk [tilespmem:v13+s20+$0x0], $0xffff  }
0x1a0: {  	v6 =	vor.u32 $0x180, v6;
	v12 =	vand.u32 $0x7F, v12;
	v14 =	vand.u32 $0xFFFFFE00, v14;
	v19 =	vld.idx.msk [tilespmem:v19+s20+$0x0], $0xffff  }
0x1a1: {  	v7 =	vor.u32 $0x180, v7;
	v4 =	vor.u32 v12, v4;
	v12 =	vshll.u32 v21, $0x2;
	v20 =	vld.idx.msk [tilespmem:v20+s20+$0x0], $0xffff  }
0x1a2: {  	v26 =	vshll.u32 v15, $0x2;
	v14 =	vor.u32 v25, v14;
	v27 =	vshll.u32 v16, $0x2;
	v22 =	vld.idx.msk [tilespmem:v22+s20+$0x0], $0xffff;
	[tilespmem:s8+$0xFFFFFFE0] =	vst v9  }
0x1a3: {  	v21 =	vand.u32 $0x7F, v21;
	v9 =	vand.u32 $0xFFFFFE00, v26;
	v16 =	vand.u32 $0x7F, v16;
	v25 =	vld.idx.msk [tilespmem:v5+s20+$0x0], $0xffff  }
0x1a4: {  	v12 =	vand.u32 $0xFFFFFE00, v12;
	v26 =	vor.u32 $0x180, v2;
	v5 =	vand.u32 $0xFFFFFE00, v27;
	[tilespmem:s8+$0x50] =	vst v11;
	v8 =	vld.idx.msk [tilespmem:v8+s20+$0x0], $0xffff  }
0x1a5: {  	v2 =	vshll.u32 v18, $0x2;
	v11 =	vor.u32 v16, v5;
	v5 =	vor.u32 v21, v12;
	[tilespmem:s8+$0x10] =	vst v13;
	v12 =	vld.idx.msk [tilespmem:v24+s20+$0x0], $0xffff  }
0x1a6: {  	v2 =	vand.u32 $0xFFFFFE00, v2;
	v13 =	vor.u32 $0x180, v3;
	v3 =	vmov v14;
	v7 =	vld.idx.msk [tilespmem:v7+s20+$0x0], $0xffff;
	[tilespmem:s8+$0x30] =	vst v19  }
0x1a7: {  	v14 =	vand.u32 $0x7F, v18;
	v18 =	vor.u32 $0x180, v0;
	v0 =	vmovc v11;
	v19 =	vor.u32 $0x180, v1;
	[tilespmem:s8+$0x80] =	vst v20;
	v16 =	vld.idx.msk [tilespmem:v6+s20+$0x0], $0xffff  }
0x1a8: {  	v21 =	vor.u32 $0x80, v4;
	v2 =	vor.u32 v14, v2;
	v1 =	vand.u32 $0x7F, v15;
	[tilespmem:s8+$0x20] =	vst v22;
	v11 =	vld.idx.msk [tilespmem:v23+s20+$0x0], $0xffff  }
0x1a9: {  	v6 =	vor.u32 v1, v9;
	v1 =	vshll.u32 v10, $0x2;
	v9 =	vld.idx.msk [tilespmem:v26+s20+$0x0], $0xffff;
	[tilespmem:s8+$0x60] =	vst v25  }
0x1aa: {  	v10 =	vand.u32 $0x7F, v10;
	v1 =	vand.u32 $0xFFFFFE00, v1;
	v15 =	vld.idx.msk [tilespmem:v4+s20+$0x0], $0xffff;
	[tilespmem:s8+$0x70] =	vst v8  }
0x1ab: {  	v1 =	vor.u32 v10, v1;
	[tilespmem:s8+$0x40] =	vst v12;
	v22 =	vld.idx.msk [tilespmem:v13+s20+$0x0], $0xffff  }
0x1ac: {  	v8 =	vshll.u32 v17, $0x2;
	v12 =	vor.u32 $0x80, v5;
	v13 =	vld.idx.msk [tilespmem:v0+s20+$0x0], $0xffff;
	[tilespmem:s8+$0x90] =	vst v7  }
0x1ad: {  	v10 =	vand.u32 $0xFFFFFE00, v8;
	v8 =	vor.u32 $0x80, v3;
	v7 =	vand.u32 $0x7F, v17;
	[tilespmem:s8+$0xB0] =	vst v16;
	v16 =	vld.idx.msk [tilespmem:v18+s20+$0x0], $0xffff  }
0x1ae: {  	v7 =	vor.u32 v7, v10;
	[tilespmem:s8+$0xD0] =	vst v11;
	v23 =	vld.idx.msk [tilespmem:v19+s20+$0x0], $0xffff  }
0x1af: {  	v14 =	vor.u32 $0x80, v7;
	v11 =	vld.idx.msk [tilespmem:v2+s20+$0x0], $0xffff  }
.Ltmp14:
0x1b0: {  	[tilespmem:s6+$0xFFFFFF00] =	vst v15;
	v15 =	vor.u32 $0x80, v2;
	v17 =	vld.idx.msk [tilespmem:v5+s20+$0x0], $0xffff;
	(pc) =	sbr.rel @p0 .LBB2_21-.Ltmp14, $4  }
0x1b1: {  	v20 =	vor.u32 $0x80, v0;
	v10 =	vld.idx.msk [tilespmem:v1+s20+$0x0], $0xffff;
	[tilespmem:s8+$0xF0] =	vst v22  }
0x1b2: {  	v18 =	vld.idx.msk [tilespmem:v21+s20+$0x0], $0xffff;
	[tilespmem:s8+$0xA0] =	vst v9  }
0x1b3: {  	v19 =	vld.idx.msk [tilespmem:v7+s20+$0x0], $0xffff;
	[tilespmem:s8+$0xC0] =	vst v16  }
0x1b4: {  	s13 =	sadd.s32 $0x80, s13;
	v9 =	vor.u32 $0x80, v1;
	v16 =	vld.idx.msk [tilespmem:v6+s20+$0x0], $0xffff;
	[tilespmem:s8+$0xE0] =	vst v23;
	s8 =	smov.u32 s6  }
0x1b5: {  	_ =	sdelay $0x1  }
0x1b6: {  	[tilespmem:s8+$0xFFFFFF40] =	vst v13  }
0x1b7: {  	[tilespmem:s8+$0xFFFFFF50] =	vst v17  }
0x1b8: {  	v34 =	vld.idx.msk [tilespmem:v3+s20+$0x0], $0xffff;
	[tilespmem:s8+$0xFFFFFF20] =	vst v11  }
0x1b9: {  	v36 =	vor.u32 $0x80, v6;
	v35 =	vld.idx.msk [tilespmem:v20+s20+$0x0], $0xffff;
	[tilespmem:s8+$0xFFFFFF60] =	vst v10  }
0x1ba: {  	v37 =	vor.u32 $0x100, v4;
	v12 =	vld.idx.msk [tilespmem:v12+s20+$0x0], $0xffff;
	[tilespmem:s8+$0xFFFFFF80] =	vst v18  }
0x1bb: {  	v39 =	vld.idx.msk [tilespmem:v15+s20+$0x0], $0xffff;
	[tilespmem:s8+$0xFFFFFF10] =	vst v19  }
0x1bc: {  	v40 =	vor.u32 $0x100, v5;
	v9 =	vld.idx.msk [tilespmem:v9+s20+$0x0], $0xffff;
	[tilespmem:s8+$0xFFFFFF30] =	vst v16  }
0x1bd: {  	v46 =	vor.u32 $0x100, v2;
	v38 =	vld.idx.msk [tilespmem:v14+s20+$0x0], $0xffff;
	[tilespmem:s8+$0xFFFFFF70] =	vst v34  }
0x1be: {  	v51 =	vor.u32 $0x100, v0;
	v41 =	vld.idx.msk [tilespmem:v36+s20+$0x0], $0xffff;
	[tilespmem:s8+$0xFFFFFFC0] =	vst v35  }
0x1bf: {  	v49 =	vor.u32 $0x100, v1;
	v43 =	vld.idx.msk [tilespmem:v37+s20+$0x0], $0xffff;
	[tilespmem:s8+$0xFFFFFFD0] =	vst v12  }
0x1c0: {  	v42 =	vor.u32 $0x100, v7;
	v8 =	vld.idx.msk [tilespmem:v8+s20+$0x0], $0xffff;
	[tilespmem:s8+$0xFFFFFFA0] =	vst v39  }
0x1c1: {  	v44 =	vor.u32 $0x100, v6;
	v47 =	vld.idx.msk [tilespmem:v40+s20+$0x0], $0xffff;
	[tilespmem:s8+$0xFFFFFFE0] =	vst v9  }
0x1c2: {  	v45 =	vor.u32 $0x180, v4;
	v54 =	vld.idx.msk [tilespmem:v46+s20+$0x0], $0xffff;
	[tilespmem:s8+$0xFFFFFF90] =	vst v38  }
0x1c3: {  	v48 =	vor.u32 $0x100, v3;
	v60 =	vld.idx.msk [tilespmem:v51+s20+$0x0], $0xffff;
	[tilespmem:s8+$0xFFFFFFB0] =	vst v41  }
0x1c4: {  	v55 =	vor.u32 $0x180, v5;
	v57 =	vld.idx.msk [tilespmem:v49+s20+$0x0], $0xffff;
	[tilespmem:s8+$0x0] =	vst v43  }
0x1c5: {  	v59 =	vor.u32 $0x180, v2;
	v50 =	vld.idx.msk [tilespmem:v42+s20+$0x0], $0xffff;
	[tilespmem:s8+$0xFFFFFFF0] =	vst v8  }
0x1c6: {  	v61 =	vor.u32 $0x180, v0;
	v12 =	vld.idx.msk [tilespmem:v44+s20+$0x0], $0xffff;
	[tilespmem:s8+$0x50] =	vst v47  }
0x1c7: {  	v63 =	vor.u32 $0x180, v1;
	v4 =	vld.idx.msk [tilespmem:v45+s20+$0x0], $0xffff;
	[tilespmem:s8+$0x20] =	vst v54  }
0x1c8: {  	v52 =	vor.u32 $0x180, v7;
	v56 =	vld.idx.msk [tilespmem:v48+s20+$0x0], $0xffff;
	[tilespmem:s8+$0x40] =	vst v60  }
0x1c9: {  	v53 =	vor.u32 $0x180, v6;
	v5 =	vld.idx.msk [tilespmem:v55+s20+$0x0], $0xffff;
	[tilespmem:s8+$0x60] =	vst v57  }
0x1ca: {  	v58 =	vor.u32 $0x180, v3;
	v2 =	vld.idx.msk [tilespmem:v59+s20+$0x0], $0xffff;
	[tilespmem:s8+$0x10] =	vst v50  }
0x1cb: {  	v0 =	vld.idx.msk [tilespmem:v61+s20+$0x0], $0xffff;
	[tilespmem:s8+$0x30] =	vst v12  }
0x1cc: {  	v1 =	vld.idx.msk [tilespmem:v63+s20+$0x0], $0xffff;
	[tilespmem:s8+$0x80] =	vst v4  }
0x1cd: {  	v7 =	vld.idx.msk [tilespmem:v52+s20+$0x0], $0xffff;
	[tilespmem:s8+$0x70] =	vst v56  }
0x1ce: {  	v62 =	vld.idx.msk [tilespmem:v53+s20+$0x0], $0xffff;
	[tilespmem:s8+$0xD0] =	vst v5  }
0x1cf: {  	v3 =	vld.idx.msk [tilespmem:v58+s20+$0x0], $0xffff;
	[tilespmem:s8+$0xA0] =	vst v2  }
0x1d0: {  	p0 =	seq.s32 s4, $0xF;
	[tilespmem:s8+$0xC0] =	vst v0  }
.Ltmp15:
0x1d1: {  	[tilespmem:s8+$0xE0] =	vst v1;
	(pc) =	sbr.rel @p0 .LBB2_24-.Ltmp15, $4  }
0x1d2: {  	[tilespmem:s8+$0x90] =	vst v7  }
0x1d3: {  	[tilespmem:s8+$0xB0] =	vst v62  }
0x1d4: {  	s6 =	sadd.s32 s7, s11;
	[tilespmem:s8+$0xF0] =	vst v3  }
0x1d5: {  	[hbm4b:s6+s15] =	stream.strided.scatter [tilespmem:s0], [sflag:$0x8], $0x2000, s16, s15, $0x38;
	[tilespmem:$0x10800] =	vst v63  }
.Ltmp16:
0x1d6: {  	(pc) =	sbr.rel .LBB2_2-.Ltmp16, $3  }
0x1d7: {  	_ =	sdelay $0x1  }
0x1d8: {  	s6 =	sadd.s32 s7, s12;
	s4 =	sadd.s32 $0x1, s4  }
0x1d9: {  	[tilespmem:s20], [sflag:$0x4] =	stream.strided.gather [hbm4b:s6+s15], $0x2000, s16, s15, $0x38;
	[tilespmem:$0x10800] =	vst v63  }
.LBB2_25:
0x1da: {  	_ =	sfence.sel $0x180000  }
0x1db: {  	[bflag:$0x0] =	sbarrier.arrive $0xFFFF  }
0x1dc: {  	_ =	strace $0x90000047  }
0x1dd: {  	s0 =	stileid.u32;
	[bflag:$0x2] =	sbarrier.arrive $0xFFFF  }
0x1de: {  	p0 =	sne.s32 s0, $0x0;
	s0 =	rddreg [dreg:$0x3]  }
0x1df: {  	s0 =	sadd.s32 @!p0 $0x100000, s0  }
0x1e0: {  	[sflag:s0] =	ssyncadd.tile.s32 @!p0 $0x1;
	_ =	shalt  }
.Lfunc_end2:
_tile_overlayer_lowered:
.L_overlay_start_2:
0x1e1: {  	(tag) =	ssettag $0x2  }
0x1e2: {  	s0 =	rddreg [dreg:$0x0];
	s2 =	stileid.u32  }
0x1e3: {  	s1 =	rddreg [dreg:$0x1];
	p0 =	sne.s32 s2, $0x0  }
0x1e4: {  	s3 =	rddreg [dreg:$0x2];
	[bflag:$0x3] =	sbarrier.arrive $0xFFFF;
	s2 =	simm.s32 @!p0 $0x1C09  }
0x1e5: {  	[timem:s3], [sflag:s2] =	dma.local @!p0 [hbm:s0], s1  }
0x1e6: {  	s0 =	simm.s32 @!p0 $0x9  }
0x1e7: {  	_ =	swait.ge @!p0 [sflag:s0], s1  }
0x1e8: {  	s1 =	ssub.s32 @!p0 $0x0, s1;
	[sflag:s0] =	ssyncset.done @!p0 $0x0  }
0x1e9: {  	[sflag:s0] =	ssyncadd.s32 @!p0 s1  }
0x1ea: {  	[bflag:$0x3] =	sbarrier.arrive $0xFFFF  }
0x1eb: {  	_ =	shalt  }

</sc_bundles>
